<compile_context>
chip_gen: v7x
topology: tpu7x:2x2x1
jax: 0.10.2.dev20260603
libtpu: 0.0.44.dev20260713+nightly
codegen_flags: <defaults>
</compile_context>

<pallas_src>
import functools

import jax
import jax.numpy as jnp
from jax import lax
from jax.experimental import pallas as pl
from jax.experimental.pallas import tpu as pltpu
from jax.experimental.pallas import tpu_sc as plsc


def _argmin_body(num_codebooks, code_dim, num_codes, x_ref, cb_ref, out_ref):
    cols = []
    for c in range(num_codebooks):
        xc = x_ref[:, c * code_dim:(c + 1) * code_dim]
        cb = cb_ref[c]
        scores = lax.dot_general(
            cb, xc, (((1,), (1,)), ((), ())),
            preferred_element_type=jnp.float32)
        scores = scores - 0.5 * jnp.sum(cb * cb, axis=1)[:, None]
        am = jnp.argmax(scores, axis=0).astype(jnp.int32) + c * num_codes
        cols.append(am)
    out_ref[...] = jnp.stack(cols, axis=1)


def _nearest_code_ids(x2, codebook, sblk=512):
    t, dim = x2.shape
    c, k, d = codebook.shape
    grid = (t // sblk,)
    return pl.pallas_call(
        functools.partial(_argmin_body, c, d, k),
        grid=grid,
        in_specs=[
            pl.BlockSpec((sblk, dim), lambda i: (i, 0)),
            pl.BlockSpec((c, k, d), lambda i: (0, 0, 0)),
        ],
        out_specs=pl.BlockSpec((sblk, c), lambda i: (i, 0)),
        out_shape=jax.ShapeDtypeStruct((t, c), jnp.int32),
    )(x2, codebook)


def _gather_rows(table, flat_idx, chunk=1024):
    v, d = table.shape
    n = flat_idx.shape[0]
    info = plsc.get_sparse_core_info()
    nc, ns = info.num_cores, info.num_subcores
    nw = nc * ns
    rows_per_w = n // nw
    n_chunks = rows_per_w // chunk
    mesh = plsc.VectorSubcoreMesh(core_axis_name="c", subcore_axis_name="s")

    @functools.partial(
        pl.kernel,
        mesh=mesh,
        compiler_params=pltpu.CompilerParams(use_tc_tiling_on_sc=False),
        out_type=jax.ShapeDtypeStruct((n, d), jnp.float32),
        scratch_types=[
            pltpu.VMEM((chunk,), jnp.int32),
            pltpu.VMEM((chunk,), jnp.int32),
            pltpu.VMEM((chunk, d), jnp.float32),
            pltpu.VMEM((chunk, d), jnp.float32),
            pltpu.SemaphoreType.DMA,
            pltpu.SemaphoreType.DMA,
        ],
    )
    def gather(table_hbm, idx_hbm, out_hbm, i0, i1, r0, r1, s0, s1):
        wid = lax.axis_index("s") * nc + lax.axis_index("c")
        base = wid * rows_per_w
        bufs = ((i0, r0, s0), (i1, r1, s1))
        pending = []
        for j in range(n_chunks):
            ib, rb, sb = bufs[j % 2]
            off = base + j * chunk
            pltpu.sync_copy(idx_hbm.at[pl.ds(off, chunk)], ib)
            cp = pltpu.async_copy(table_hbm.at[ib], rb, sb)
            pending.append((cp, off, rb))
            if j >= 1:
                cpp, offp, rbp = pending[j - 1]
                cpp.wait()
                pltpu.sync_copy(rbp, out_hbm.at[pl.ds(offp, chunk)])
        cpl, offl, rbl = pending[n_chunks - 1]
        cpl.wait()
        pltpu.sync_copy(rbl, out_hbm.at[pl.ds(offl, chunk)])

    return gather(table, flat_idx)


def kernel(x, codebook):
    b, s, dim = x.shape
    c, k, d = codebook.shape
    t = b * s
    x2 = x.reshape(t, dim)
    table = codebook.reshape(c * k, d)
    fidx = _nearest_code_ids(x2, codebook)
    rows = _gather_rows(table, fidx.reshape(t * c))
    return rows.reshape(b, s, dim)

# --- scband reference (transcript-rebuilt; emitter-appended) ---
"""Pipeline reference for scband-compositional-codebook-layer2-29772713295964 (READ-ONLY COPY).

The authoritative reference and input builder live on the scoring server;
editing this copy changes nothing except your own understanding.
"""

import jax, jax.numpy as jnp
import numpy as np

B, S, DIM = 2, 2048, 1024
NUM_CODEBOOKS = 32
NUM_CODES = 1024
CODE_DIM = DIM // NUM_CODEBOOKS  # 32
K_TOP = 1  # BaseSnapFunction.k


def setup_inputs(seed: int = 0) -> dict:
    key = jax.random.key(seed)
    k1, k2 = jax.random.split(key)
    x = jax.random.normal(k1, (B, S, DIM), dtype=jnp.float32)
    # learned parameter: codebook of shape (num_codebooks, num_codes, dim // num_codebooks)
    codebook = jax.random.normal(k2, (NUM_CODEBOOKS, NUM_CODES, CODE_DIM), dtype=jnp.float32)
    return {"x": x, "codebook": codebook}


def reference(x, codebook):
    # x: (B, S, DIM); codebook: (C, K, d)
    b, s, dim = x.shape
    c, kcodes, d = codebook.shape
    # comp_input = inputs.reshape(B, S, C, d).permute(0, 2, 1, 3) -> (B, C, S, d)
    comp = jnp.transpose(x.reshape(b, s, c, d), (0, 2, 1, 3))
    # torch.cdist(comp, codebook, p=2): pairwise euclidean distances -> (B, C, S, K)
    a2 = jnp.sum(comp * comp, axis=-1)[..., None]               # (B, C, S, 1)
    b2 = jnp.sum(codebook * codebook, axis=-1)[None, :, None, :]  # (1, C, 1, K)
    ab = jnp.einsum('bcsd,ckd->bcsk', comp, codebook)            # (B, C, S, K)
    dist = jnp.sqrt(jnp.clip(a2 + b2 - 2.0 * ab, 0.0, None))
    # logits = -dist, then permute(0, 2, 1, 3) -> (B, S, C, K)
    logits = -jnp.transpose(dist, (0, 2, 1, 3))
    # codebook_ids = logits.topk(k, dim=-1)[1] -> (B, S, C, k)
    _, codebook_ids = jax.lax.top_k(logits, K_TOP)
    # outputs = concat_i embedding(codebook_ids[:, :, i, :], codebook[i]) over last dim -> (B, S, k, C*d)
    outs = [jnp.take(codebook[i], codebook_ids[:, :, i, :], axis=0) for i in range(c)]
    outputs = jnp.concatenate(outs, axis=-1)
    # sum over k dim and divide by k -> (B, S, DIM)
    outputs = jnp.sum(outputs, axis=-2) / K_TOP
    return outputs

if __name__ == "__main__":
    import jax
    _d = setup_inputs()
    print(jax.jit(kernel)(*tuple(_d.values())))

</pallas_src>

<mosaic_0001>
#map = affine_map<(d0, d1) -> (0, 0)>
#map1 = affine_map<(d0, d1) -> (0)>
module attributes {stable_mosaic.version = 14 : i64} {
  func.func @gather(%arg0: i32, %arg1: i32, %arg2: memref<32768x32xf32, #tpu.memory_space<hbm>>, %arg3: memref<131072xi32, #tpu.memory_space<hbm>>, %arg4: memref<131072x32xf32, #tpu.memory_space<hbm>>, %arg5: memref<1024xi32, #tpu.memory_space<vmem>>, %arg6: memref<1024xi32, #tpu.memory_space<vmem>>, %arg7: memref<1024x32xf32, #tpu.memory_space<vmem>>, %arg8: memref<1024x32xf32, #tpu.memory_space<vmem>>, %arg9: memref<!tpu.dma_semaphore, #tpu.memory_space<semaphore_mem>>, %arg10: memref<!tpu.dma_semaphore, #tpu.memory_space<semaphore_mem>>) attributes {dimension_semantics = [#tpu.dimension_semantics<core_parallel>, #tpu.dimension_semantics<subcore_parallel>], iteration_bounds = array<i64: 2, 16>, scalar_prefetch = 0 : i64, scratch_operands = 6 : i64, tpu.core_type = #tpu.core_type<sc_vector_subcore>, window_params = [{transform_indices = #map}, {transform_indices = #map1}, {transform_indices = #map}]} {
    %mul3A = arith.constant 2 : i32
    %mul3A_0 = arith.muli %arg1, %mul3A : i32
    %add3A = arith.addi %mul3A_0, %arg0 : i32
    %mul3A_1 = arith.constant 4096 : i32
    %mul3A_2 = arith.muli %add3A, %mul3A_1 : i32
    %add3A_3 = arith.constant 0 : i32
    %add3A_4 = arith.addi %mul3A_2, %add3A_3 : i32
    "tpu.region"() ({
      %run_scoped3A = tpu.sem_alloc : memref<!tpu.dma_semaphore, #tpu.memory_space<semaphore_mem>>
      %dma_start3A_33 = tpu.memref_slice %arg3[%add3A_4] : memref<131072xi32, #tpu.memory_space<hbm>> -> memref<1024xi32, #tpu.memory_space<hbm>>
      %dma_start3A_34 = tpu.memref_slice %arg3[%add3A_4] : memref<131072xi32, #tpu.memory_space<hbm>> -> memref<1024xi32, #tpu.memory_space<hbm>>
      tpu.enqueue_dma source(%dma_start3A_34 : memref<1024xi32, #tpu.memory_space<hbm>>) target(%arg5 : memref<1024xi32, #tpu.memory_space<vmem>>) target_semaphore(%run_scoped3A : memref<!tpu.dma_semaphore, #tpu.memory_space<semaphore_mem>>)
      %dma_wait3A_35 = tpu.memref_slice %arg3[%add3A_4] : memref<131072xi32, #tpu.memory_space<hbm>> -> memref<1024xi32, #tpu.memory_space<hbm>>
      %dma_wait3A_36 = tpu.memref_slice %arg3[%add3A_4] : memref<131072xi32, #tpu.memory_space<hbm>> -> memref<1024xi32, #tpu.memory_space<hbm>>
      tpu.wait_dma2 semaphore(%run_scoped3A : memref<!tpu.dma_semaphore, #tpu.memory_space<semaphore_mem>>) src(%dma_wait3A_36 : memref<1024xi32, #tpu.memory_space<hbm>>) dst(%arg5 : memref<1024xi32, #tpu.memory_space<vmem>>)
      tpu.yield
    }) : () -> ()
    %dma_start3A = arith.constant 0 : i32
    %dma_start3A_5 = arith.constant 0 : i32
    %dma_start3A_6 = tpu.memref_slice %arg2[%dma_start3A, %dma_start3A_5] : memref<32768x32xf32, #tpu.memory_space<hbm>> -> memref<32768x32xf32, #tpu.memory_space<hbm>>
    tpu.enqueue_indirect_dma source(%dma_start3A_6 : memref<32768x32xf32, #tpu.memory_space<hbm>>) target(%arg7 : memref<1024x32xf32, #tpu.memory_space<vmem>>) offsets(%arg5 : memref<1024xi32, #tpu.memory_space<vmem>>) semaphore(%arg9 : memref<!tpu.dma_semaphore, #tpu.memory_space<semaphore_mem>>)
    %add3A_7 = arith.constant 1024 : i32
    %add3A_8 = arith.addi %mul3A_2, %add3A_7 : i32
    "tpu.region"() ({
      %run_scoped3A = tpu.sem_alloc : memref<!tpu.dma_semaphore, #tpu.memory_space<semaphore_mem>>
      %dma_start3A_33 = tpu.memref_slice %arg3[%add3A_8] : memref<131072xi32, #tpu.memory_space<hbm>> -> memref<1024xi32, #tpu.memory_space<hbm>>
      %dma_start3A_34 = tpu.memref_slice %arg3[%add3A_8] : memref<131072xi32, #tpu.memory_space<hbm>> -> memref<1024xi32, #tpu.memory_space<hbm>>
      tpu.enqueue_dma source(%dma_start3A_34 : memref<1024xi32, #tpu.memory_space<hbm>>) target(%arg6 : memref<1024xi32, #tpu.memory_space<vmem>>) target_semaphore(%run_scoped3A : memref<!tpu.dma_semaphore, #tpu.memory_space<semaphore_mem>>)
      %dma_wait3A_35 = tpu.memref_slice %arg3[%add3A_8] : memref<131072xi32, #tpu.memory_space<hbm>> -> memref<1024xi32, #tpu.memory_space<hbm>>
      %dma_wait3A_36 = tpu.memref_slice %arg3[%add3A_8] : memref<131072xi32, #tpu.memory_space<hbm>> -> memref<1024xi32, #tpu.memory_space<hbm>>
      tpu.wait_dma2 semaphore(%run_scoped3A : memref<!tpu.dma_semaphore, #tpu.memory_space<semaphore_mem>>) src(%dma_wait3A_36 : memref<1024xi32, #tpu.memory_space<hbm>>) dst(%arg6 : memref<1024xi32, #tpu.memory_space<vmem>>)
      tpu.yield
    }) : () -> ()
    %dma_start3A_9 = arith.constant 0 : i32
    %dma_start3A_10 = arith.constant 0 : i32
    %dma_start3A_11 = tpu.memref_slice %arg2[%dma_start3A_9, %dma_start3A_10] : memref<32768x32xf32, #tpu.memory_space<hbm>> -> memref<32768x32xf32, #tpu.memory_space<hbm>>
    tpu.enqueue_indirect_dma source(%dma_start3A_11 : memref<32768x32xf32, #tpu.memory_space<hbm>>) target(%arg8 : memref<1024x32xf32, #tpu.memory_space<vmem>>) offsets(%arg6 : memref<1024xi32, #tpu.memory_space<vmem>>) semaphore(%arg10 : memref<!tpu.dma_semaphore, #tpu.memory_space<semaphore_mem>>)
    %dma_wait3A = arith.constant 0 : i32
    %dma_wait3A_12 = arith.constant 0 : i32
    %dma_wait3A_13 = tpu.memref_slice %arg2[%dma_wait3A, %dma_wait3A_12] : memref<32768x32xf32, #tpu.memory_space<hbm>> -> memref<32768x32xf32, #tpu.memory_space<hbm>>
    tpu.wait_indirect_dma semaphore(%arg9 : memref<!tpu.dma_semaphore, #tpu.memory_space<semaphore_mem>>) src(%dma_wait3A_13 : memref<32768x32xf32, #tpu.memory_space<hbm>>) dst(%arg7 : memref<1024x32xf32, #tpu.memory_space<vmem>>)
    "tpu.region"() ({
      %run_scoped3A = tpu.sem_alloc : memref<!tpu.dma_semaphore, #tpu.memory_space<semaphore_mem>>
      %dma_start3A_33 = arith.constant 0 : i32
      %dma_start3A_34 = tpu.memref_slice %arg4[%add3A_4, %dma_start3A_33] : memref<131072x32xf32, #tpu.memory_space<hbm>> -> memref<1024x32xf32, #tpu.memory_space<hbm>>
      %dma_start3A_35 = arith.constant 0 : i32
      %dma_start3A_36 = tpu.memref_slice %arg4[%add3A_4, %dma_start3A_35] : memref<131072x32xf32, #tpu.memory_space<hbm>> -> memref<1024x32xf32, #tpu.memory_space<hbm>>
      tpu.enqueue_dma source(%arg7 : memref<1024x32xf32, #tpu.memory_space<vmem>>) target(%dma_start3A_36 : memref<1024x32xf32, #tpu.memory_space<hbm>>) target_semaphore(%run_scoped3A : memref<!tpu.dma_semaphore, #tpu.memory_space<semaphore_mem>>)
      %dma_wait3A_37 = arith.constant 0 : i32
      %dma_wait3A_38 = tpu.memref_slice %arg4[%add3A_4, %dma_wait3A_37] : memref<131072x32xf32, #tpu.memory_space<hbm>> -> memref<1024x32xf32, #tpu.memory_space<hbm>>
      %dma_wait3A_39 = arith.constant 0 : i32
      %dma_wait3A_40 = tpu.memref_slice %arg4[%add3A_4, %dma_wait3A_39] : memref<131072x32xf32, #tpu.memory_space<hbm>> -> memref<1024x32xf32, #tpu.memory_space<hbm>>
      tpu.wait_dma2 semaphore(%run_scoped3A : memref<!tpu.dma_semaphore, #tpu.memory_space<semaphore_mem>>) src(%arg7 : memref<1024x32xf32, #tpu.memory_space<vmem>>) dst(%dma_wait3A_40 : memref<1024x32xf32, #tpu.memory_space<hbm>>)
      tpu.yield
    }) : () -> ()
    %add3A_14 = arith.constant 2048 : i32
    %add3A_15 = arith.addi %mul3A_2, %add3A_14 : i32
    "tpu.region"() ({
      %run_scoped3A = tpu.sem_alloc : memref<!tpu.dma_semaphore, #tpu.memory_space<semaphore_mem>>
      %dma_start3A_33 = tpu.memref_slice %arg3[%add3A_15] : memref<131072xi32, #tpu.memory_space<hbm>> -> memref<1024xi32, #tpu.memory_space<hbm>>
      %dma_start3A_34 = tpu.memref_slice %arg3[%add3A_15] : memref<131072xi32, #tpu.memory_space<hbm>> -> memref<1024xi32, #tpu.memory_space<hbm>>
      tpu.enqueue_dma source(%dma_start3A_34 : memref<1024xi32, #tpu.memory_space<hbm>>) target(%arg5 : memref<1024xi32, #tpu.memory_space<vmem>>) target_semaphore(%run_scoped3A : memref<!tpu.dma_semaphore, #tpu.memory_space<semaphore_mem>>)
      %dma_wait3A_35 = tpu.memref_slice %arg3[%add3A_15] : memref<131072xi32, #tpu.memory_space<hbm>> -> memref<1024xi32, #tpu.memory_space<hbm>>
      %dma_wait3A_36 = tpu.memref_slice %arg3[%add3A_15] : memref<131072xi32, #tpu.memory_space<hbm>> -> memref<1024xi32, #tpu.memory_space<hbm>>
      tpu.wait_dma2 semaphore(%run_scoped3A : memref<!tpu.dma_semaphore, #tpu.memory_space<semaphore_mem>>) src(%dma_wait3A_36 : memref<1024xi32, #tpu.memory_space<hbm>>) dst(%arg5 : memref<1024xi32, #tpu.memory_space<vmem>>)
      tpu.yield
    }) : () -> ()
    %dma_start3A_16 = arith.constant 0 : i32
    %dma_start3A_17 = arith.constant 0 : i32
    %dma_start3A_18 = tpu.memref_slice %arg2[%dma_start3A_16, %dma_start3A_17] : memref<32768x32xf32, #tpu.memory_space<hbm>> -> memref<32768x32xf32, #tpu.memory_space<hbm>>
    tpu.enqueue_indirect_dma source(%dma_start3A_18 : memref<32768x32xf32, #tpu.memory_space<hbm>>) target(%arg7 : memref<1024x32xf32, #tpu.memory_space<vmem>>) offsets(%arg5 : memref<1024xi32, #tpu.memory_space<vmem>>) semaphore(%arg9 : memref<!tpu.dma_semaphore, #tpu.memory_space<semaphore_mem>>)
    %dma_wait3A_19 = arith.constant 0 : i32
    %dma_wait3A_20 = arith.constant 0 : i32
    %dma_wait3A_21 = tpu.memref_slice %arg2[%dma_wait3A_19, %dma_wait3A_20] : memref<32768x32xf32, #tpu.memory_space<hbm>> -> memref<32768x32xf32, #tpu.memory_space<hbm>>
    tpu.wait_indirect_dma semaphore(%arg10 : memref<!tpu.dma_semaphore, #tpu.memory_space<semaphore_mem>>) src(%dma_wait3A_21 : memref<32768x32xf32, #tpu.memory_space<hbm>>) dst(%arg8 : memref<1024x32xf32, #tpu.memory_space<vmem>>)
    "tpu.region"() ({
      %run_scoped3A = tpu.sem_alloc : memref<!tpu.dma_semaphore, #tpu.memory_space<semaphore_mem>>
      %dma_start3A_33 = arith.constant 0 : i32
      %dma_start3A_34 = tpu.memref_slice %arg4[%add3A_8, %dma_start3A_33] : memref<131072x32xf32, #tpu.memory_space<hbm>> -> memref<1024x32xf32, #tpu.memory_space<hbm>>
      %dma_start3A_35 = arith.constant 0 : i32
      %dma_start3A_36 = tpu.memref_slice %arg4[%add3A_8, %dma_start3A_35] : memref<131072x32xf32, #tpu.memory_space<hbm>> -> memref<1024x32xf32, #tpu.memory_space<hbm>>
      tpu.enqueue_dma source(%arg8 : memref<1024x32xf32, #tpu.memory_space<vmem>>) target(%dma_start3A_36 : memref<1024x32xf32, #tpu.memory_space<hbm>>) target_semaphore(%run_scoped3A : memref<!tpu.dma_semaphore, #tpu.memory_space<semaphore_mem>>)
      %dma_wait3A_37 = arith.constant 0 : i32
      %dma_wait3A_38 = tpu.memref_slice %arg4[%add3A_8, %dma_wait3A_37] : memref<131072x32xf32, #tpu.memory_space<hbm>> -> memref<1024x32xf32, #tpu.memory_space<hbm>>
      %dma_wait3A_39 = arith.constant 0 : i32
      %dma_wait3A_40 = tpu.memref_slice %arg4[%add3A_8, %dma_wait3A_39] : memref<131072x32xf32, #tpu.memory_space<hbm>> -> memref<1024x32xf32, #tpu.memory_space<hbm>>
      tpu.wait_dma2 semaphore(%run_scoped3A : memref<!tpu.dma_semaphore, #tpu.memory_space<semaphore_mem>>) src(%arg8 : memref<1024x32xf32, #tpu.memory_space<vmem>>) dst(%dma_wait3A_40 : memref<1024x32xf32, #tpu.memory_space<hbm>>)
      tpu.yield
    }) : () -> ()
    %add3A_22 = arith.constant 3072 : i32
    %add3A_23 = arith.addi %mul3A_2, %add3A_22 : i32
    "tpu.region"() ({
      %run_scoped3A = tpu.sem_alloc : memref<!tpu.dma_semaphore, #tpu.memory_space<semaphore_mem>>
      %dma_start3A_33 = tpu.memref_slice %arg3[%add3A_23] : memref<131072xi32, #tpu.memory_space<hbm>> -> memref<1024xi32, #tpu.memory_space<hbm>>
      %dma_start3A_34 = tpu.memref_slice %arg3[%add3A_23] : memref<131072xi32, #tpu.memory_space<hbm>> -> memref<1024xi32, #tpu.memory_space<hbm>>
      tpu.enqueue_dma source(%dma_start3A_34 : memref<1024xi32, #tpu.memory_space<hbm>>) target(%arg6 : memref<1024xi32, #tpu.memory_space<vmem>>) target_semaphore(%run_scoped3A : memref<!tpu.dma_semaphore, #tpu.memory_space<semaphore_mem>>)
      %dma_wait3A_35 = tpu.memref_slice %arg3[%add3A_23] : memref<131072xi32, #tpu.memory_space<hbm>> -> memref<1024xi32, #tpu.memory_space<hbm>>
      %dma_wait3A_36 = tpu.memref_slice %arg3[%add3A_23] : memref<131072xi32, #tpu.memory_space<hbm>> -> memref<1024xi32, #tpu.memory_space<hbm>>
      tpu.wait_dma2 semaphore(%run_scoped3A : memref<!tpu.dma_semaphore, #tpu.memory_space<semaphore_mem>>) src(%dma_wait3A_36 : memref<1024xi32, #tpu.memory_space<hbm>>) dst(%arg6 : memref<1024xi32, #tpu.memory_space<vmem>>)
      tpu.yield
    }) : () -> ()
    %dma_start3A_24 = arith.constant 0 : i32
    %dma_start3A_25 = arith.constant 0 : i32
    %dma_start3A_26 = tpu.memref_slice %arg2[%dma_start3A_24, %dma_start3A_25] : memref<32768x32xf32, #tpu.memory_space<hbm>> -> memref<32768x32xf32, #tpu.memory_space<hbm>>
    tpu.enqueue_indirect_dma source(%dma_start3A_26 : memref<32768x32xf32, #tpu.memory_space<hbm>>) target(%arg8 : memref<1024x32xf32, #tpu.memory_space<vmem>>) offsets(%arg6 : memref<1024xi32, #tpu.memory_space<vmem>>) semaphore(%arg10 : memref<!tpu.dma_semaphore, #tpu.memory_space<semaphore_mem>>)
    %dma_wait3A_27 = arith.constant 0 : i32
    %dma_wait3A_28 = arith.constant 0 : i32
    %dma_wait3A_29 = tpu.memref_slice %arg2[%dma_wait3A_27, %dma_wait3A_28] : memref<32768x32xf32, #tpu.memory_space<hbm>> -> memref<32768x32xf32, #tpu.memory_space<hbm>>
    tpu.wait_indirect_dma semaphore(%arg9 : memref<!tpu.dma_semaphore, #tpu.memory_space<semaphore_mem>>) src(%dma_wait3A_29 : memref<32768x32xf32, #tpu.memory_space<hbm>>) dst(%arg7 : memref<1024x32xf32, #tpu.memory_space<vmem>>)
    "tpu.region"() ({
      %run_scoped3A = tpu.sem_alloc : memref<!tpu.dma_semaphore, #tpu.memory_space<semaphore_mem>>
      %dma_start3A_33 = arith.constant 0 : i32
      %dma_start3A_34 = tpu.memref_slice %arg4[%add3A_15, %dma_start3A_33] : memref<131072x32xf32, #tpu.memory_space<hbm>> -> memref<1024x32xf32, #tpu.memory_space<hbm>>
      %dma_start3A_35 = arith.constant 0 : i32
      %dma_start3A_36 = tpu.memref_slice %arg4[%add3A_15, %dma_start3A_35] : memref<131072x32xf32, #tpu.memory_space<hbm>> -> memref<1024x32xf32, #tpu.memory_space<hbm>>
      tpu.enqueue_dma source(%arg7 : memref<1024x32xf32, #tpu.memory_space<vmem>>) target(%dma_start3A_36 : memref<1024x32xf32, #tpu.memory_space<hbm>>) target_semaphore(%run_scoped3A : memref<!tpu.dma_semaphore, #tpu.memory_space<semaphore_mem>>)
      %dma_wait3A_37 = arith.constant 0 : i32
      %dma_wait3A_38 = tpu.memref_slice %arg4[%add3A_15, %dma_wait3A_37] : memref<131072x32xf32, #tpu.memory_space<hbm>> -> memref<1024x32xf32, #tpu.memory_space<hbm>>
      %dma_wait3A_39 = arith.constant 0 : i32
      %dma_wait3A_40 = tpu.memref_slice %arg4[%add3A_15, %dma_wait3A_39] : memref<131072x32xf32, #tpu.memory_space<hbm>> -> memref<1024x32xf32, #tpu.memory_space<hbm>>
      tpu.wait_dma2 semaphore(%run_scoped3A : memref<!tpu.dma_semaphore, #tpu.memory_space<semaphore_mem>>) src(%arg7 : memref<1024x32xf32, #tpu.memory_space<vmem>>) dst(%dma_wait3A_40 : memref<1024x32xf32, #tpu.memory_space<hbm>>)
      tpu.yield
    }) : () -> ()
    %dma_wait3A_30 = arith.constant 0 : i32
    %dma_wait3A_31 = arith.constant 0 : i32
    %dma_wait3A_32 = tpu.memref_slice %arg2[%dma_wait3A_30, %dma_wait3A_31] : memref<32768x32xf32, #tpu.memory_space<hbm>> -> memref<32768x32xf32, #tpu.memory_space<hbm>>
    tpu.wait_indirect_dma semaphore(%arg10 : memref<!tpu.dma_semaphore, #tpu.memory_space<semaphore_mem>>) src(%dma_wait3A_32 : memref<32768x32xf32, #tpu.memory_space<hbm>>) dst(%arg8 : memref<1024x32xf32, #tpu.memory_space<vmem>>)
    "tpu.region"() ({
      %run_scoped3A = tpu.sem_alloc : memref<!tpu.dma_semaphore, #tpu.memory_space<semaphore_mem>>
      %dma_start3A_33 = arith.constant 0 : i32
      %dma_start3A_34 = tpu.memref_slice %arg4[%add3A_23, %dma_start3A_33] : memref<131072x32xf32, #tpu.memory_space<hbm>> -> memref<1024x32xf32, #tpu.memory_space<hbm>>
      %dma_start3A_35 = arith.constant 0 : i32
      %dma_start3A_36 = tpu.memref_slice %arg4[%add3A_23, %dma_start3A_35] : memref<131072x32xf32, #tpu.memory_space<hbm>> -> memref<1024x32xf32, #tpu.memory_space<hbm>>
      tpu.enqueue_dma source(%arg8 : memref<1024x32xf32, #tpu.memory_space<vmem>>) target(%dma_start3A_36 : memref<1024x32xf32, #tpu.memory_space<hbm>>) target_semaphore(%run_scoped3A : memref<!tpu.dma_semaphore, #tpu.memory_space<semaphore_mem>>)
      %dma_wait3A_37 = arith.constant 0 : i32
      %dma_wait3A_38 = tpu.memref_slice %arg4[%add3A_23, %dma_wait3A_37] : memref<131072x32xf32, #tpu.memory_space<hbm>> -> memref<1024x32xf32, #tpu.memory_space<hbm>>
      %dma_wait3A_39 = arith.constant 0 : i32
      %dma_wait3A_40 = tpu.memref_slice %arg4[%add3A_23, %dma_wait3A_39] : memref<131072x32xf32, #tpu.memory_space<hbm>> -> memref<1024x32xf32, #tpu.memory_space<hbm>>
      tpu.wait_dma2 semaphore(%run_scoped3A : memref<!tpu.dma_semaphore, #tpu.memory_space<semaphore_mem>>) src(%arg8 : memref<1024x32xf32, #tpu.memory_space<vmem>>) dst(%dma_wait3A_40 : memref<1024x32xf32, #tpu.memory_space<hbm>>)
      tpu.yield
    }) : () -> ()
    return
  }
}

module attributes {stable_mosaic.version = 14 : i64} {
  func.func @_argmin_body(%arg0: i32, %arg1: memref<512x1024xf32, #tpu.memory_space<vmem>>, %arg2: memref<32x1024x32xf32, #tpu.memory_space<vmem>>, %arg3: memref<512x32xi32, #tpu.memory_space<vmem>>) attributes {dimension_semantics = [#tpu.dimension_semantics<arbitrary>], iteration_bounds = array<i64: 8>, scalar_prefetch = 0 : i64, scratch_operands = 0 : i64, tpu.core_type = #tpu.core_type<tc>, window_params = [{transform_indices = @transform_0, window_bounds = array<i64: 512, 1024>}, {pipeline_mode = #tpu.pipeline_mode<synchronous>, transform_indices = @transform_1, window_bounds = array<i64: 32, 1024, 32>}, {transform_indices = @transform_2, window_bounds = array<i64: 512, 32>}]} {
    %get3A = arith.constant 0 : index
    %get3A_0 = arith.constant 0 : index
    %get3A_1 = vector.load %arg1[%get3A, %get3A_0] : memref<512x1024xf32, #tpu.memory_space<vmem>>, vector<512x32xf32>
    %get3A_2 = arith.constant 0 : index
    %get3A_3 = arith.constant 0 : index
    %get3A_4 = arith.constant 0 : index
    %get3A_5 = vector.load %arg2[%get3A_2, %get3A_3, %get3A_4] : memref<32x1024x32xf32, #tpu.memory_space<vmem>>, vector<1x1024x32xf32>
    %get3A_6 = vector.shape_cast %get3A_5 : vector<1x1024x32xf32> to vector<1024x32xf32>
    %dot_general3A = arith.constant dense<0.000000e+00> : vector<1024x512xf32>
    %dot_general3A_7 = tpu.matmul %get3A_6, %get3A_1, %dot_general3A {dimension_numbers = #tpu.dot_dimension_numbers<[1], [1], [0], [0], [0, 0, 1, 0], [], []>, transpose_lhs_hint = false} : vector<1024x32xf32>, vector<512x32xf32>, vector<1024x512xf32> -> vector<1024x512xf32>
    %mul3A = arith.mulf %get3A_6, %get3A_6 : vector<1024x32xf32>
    %reduce_sum3A = arith.constant dense<0.000000e+00> : vector<1024xf32>
    %reduce_sum3A_8 = vector.multi_reduction <add>, %mul3A, %reduce_sum3A [1] : vector<1024x32xf32> to vector<1024xf32>
    %broadcast_in_dim3A = vector.shape_cast %reduce_sum3A_8 : vector<1024xf32> to vector<1024x1xf32>
    %mul3A_9 = arith.constant 5.000000e-01 : f32
    %mul3A_10 = vector.broadcast %mul3A_9 : f32 to vector<1024x1xf32>
    %mul3A_11 = arith.mulf %mul3A_10, %broadcast_in_dim3A : vector<1024x1xf32>
    %sub3A = vector.broadcast %mul3A_11 : vector<1024x1xf32> to vector<1024x512xf32>
    %sub3A_12 = arith.subf %dot_general3A_7, %sub3A : vector<1024x512xf32>
    %argmax3A = tpu.reduce_index %sub3A_12 {axis = 0 : i32, kind = #tpu.reduction_kind<arg_max>} : vector<1024x512xf32> -> vector<512xi32>
    %add3A = arith.constant 0 : i32
    %add3A_13 = vector.broadcast %add3A : i32 to vector<512xi32>
    %add3A_14 = arith.addi %argmax3A, %add3A_13 : vector<512xi32>
    %get3A_15 = arith.constant 0 : index
    %get3A_16 = arith.constant 32 : index
    %get3A_17 = vector.load %arg1[%get3A_15, %get3A_16] : memref<512x1024xf32, #tpu.memory_space<vmem>>, vector<512x32xf32>
    %get3A_18 = arith.constant 1 : index
    %get3A_19 = arith.constant 0 : index
    %get3A_20 = arith.constant 0 : index
    %get3A_21 = vector.load %arg2[%get3A_18, %get3A_19, %get3A_20] : memref<32x1024x32xf32, #tpu.memory_space<vmem>>, vector<1x1024x32xf32>
    %get3A_22 = vector.shape_cast %get3A_21 : vector<1x1024x32xf32> to vector<1024x32xf32>
    %dot_general3A_23 = arith.constant dense<0.000000e+00> : vector<1024x512xf32>
    %dot_general3A_24 = tpu.matmul %get3A_22, %get3A_17, %dot_general3A_23 {dimension_numbers = #tpu.dot_dimension_numbers<[1], [1], [0], [0], [0, 0, 1, 0], [], []>, transpose_lhs_hint = false} : vector<1024x32xf32>, vector<512x32xf32>, vector<1024x512xf32> -> vector<1024x512xf32>
    %mul3A_25 = arith.mulf %get3A_22, %get3A_22 : vector<1024x32xf32>
    %reduce_sum3A_26 = arith.constant dense<0.000000e+00> : vector<1024xf32>
    %reduce_sum3A_27 = vector.multi_reduction <add>, %mul3A_25, %reduce_sum3A_26 [1] : vector<1024x32xf32> to vector<1024xf32>
    %broadcast_in_dim3A_28 = vector.shape_cast %reduce_sum3A_27 : vector<1024xf32> to vector<1024x1xf32>
    %mul3A_29 = arith.constant 5.000000e-01 : f32
    %mul3A_30 = vector.broadcast %mul3A_29 : f32 to vector<1024x1xf32>
    %mul3A_31 = arith.mulf %mul3A_30, %broadcast_in_dim3A_28 : vector<1024x1xf32>
    %sub3A_32 = vector.broadcast %mul3A_31 : vector<1024x1xf32> to vector<1024x512xf32>
    %sub3A_33 = arith.subf %dot_general3A_24, %sub3A_32 : vector<1024x512xf32>
    %argmax3A_34 = tpu.reduce_index %sub3A_33 {axis = 0 : i32, kind = #tpu.reduction_kind<arg_max>} : vector<1024x512xf32> -> vector<512xi32>
    %add3A_35 = arith.constant 1024 : i32
    %add3A_36 = vector.broadcast %add3A_35 : i32 to vector<512xi32>
    %add3A_37 = arith.addi %argmax3A_34, %add3A_36 : vector<512xi32>
    %get3A_38 = arith.constant 0 : index
    %get3A_39 = arith.constant 64 : index
    %get3A_40 = vector.load %arg1[%get3A_38, %get3A_39] : memref<512x1024xf32, #tpu.memory_space<vmem>>, vector<512x32xf32>
    %get3A_41 = arith.constant 2 : index
    %get3A_42 = arith.constant 0 : index
    %get3A_43 = arith.constant 0 : index
    %get3A_44 = vector.load %arg2[%get3A_41, %get3A_42, %get3A_43] : memref<32x1024x32xf32, #tpu.memory_space<vmem>>, vector<1x1024x32xf32>
    %get3A_45 = vector.shape_cast %get3A_44 : vector<1x1024x32xf32> to vector<1024x32xf32>
    %dot_general3A_46 = arith.constant dense<0.000000e+00> : vector<1024x512xf32>
    %dot_general3A_47 = tpu.matmul %get3A_45, %get3A_40, %dot_general3A_46 {dimension_numbers = #tpu.dot_dimension_numbers<[1], [1], [0], [0], [0, 0, 1, 0], [], []>, transpose_lhs_hint = false} : vector<1024x32xf32>, vector<512x32xf32>, vector<1024x512xf32> -> vector<1024x512xf32>
    %mul3A_48 = arith.mulf %get3A_45, %get3A_45 : vector<1024x32xf32>
    %reduce_sum3A_49 = arith.constant dense<0.000000e+00> : vector<1024xf32>
    %reduce_sum3A_50 = vector.multi_reduction <add>, %mul3A_48, %reduce_sum3A_49 [1] : vector<1024x32xf32> to vector<1024xf32>
    %broadcast_in_dim3A_51 = vector.shape_cast %reduce_sum3A_50 : vector<1024xf32> to vector<1024x1xf32>
    %mul3A_52 = arith.constant 5.000000e-01 : f32
    %mul3A_53 = vector.broadcast %mul3A_52 : f32 to vector<1024x1xf32>
    %mul3A_54 = arith.mulf %mul3A_53, %broadcast_in_dim3A_51 : vector<1024x1xf32>
    %sub3A_55 = vector.broadcast %mul3A_54 : vector<1024x1xf32> to vector<1024x512xf32>
    %sub3A_56 = arith.subf %dot_general3A_47, %sub3A_55 : vector<1024x512xf32>
    %argmax3A_57 = tpu.reduce_index %sub3A_56 {axis = 0 : i32, kind = #tpu.reduction_kind<arg_max>} : vector<1024x512xf32> -> vector<512xi32>
    %add3A_58 = arith.constant 2048 : i32
    %add3A_59 = vector.broadcast %add3A_58 : i32 to vector<512xi32>
    %add3A_60 = arith.addi %argmax3A_57, %add3A_59 : vector<512xi32>
    %get3A_61 = arith.constant 0 : index
    %get3A_62 = arith.constant 96 : index
    %get3A_63 = vector.load %arg1[%get3A_61, %get3A_62] : memref<512x1024xf32, #tpu.memory_space<vmem>>, vector<512x32xf32>
    %get3A_64 = arith.constant 3 : index
    %get3A_65 = arith.constant 0 : index
    %get3A_66 = arith.constant 0 : index
    %get3A_67 = vector.load %arg2[%get3A_64, %get3A_65, %get3A_66] : memref<32x1024x32xf32, #tpu.memory_space<vmem>>, vector<1x1024x32xf32>
    %get3A_68 = vector.shape_cast %get3A_67 : vector<1x1024x32xf32> to vector<1024x32xf32>
    %dot_general3A_69 = arith.constant dense<0.000000e+00> : vector<1024x512xf32>
    %dot_general3A_70 = tpu.matmul %get3A_68, %get3A_63, %dot_general3A_69 {dimension_numbers = #tpu.dot_dimension_numbers<[1], [1], [0], [0], [0, 0, 1, 0], [], []>, transpose_lhs_hint = false} : vector<1024x32xf32>, vector<512x32xf32>, vector<1024x512xf32> -> vector<1024x512xf32>
    %mul3A_71 = arith.mulf %get3A_68, %get3A_68 : vector<1024x32xf32>
    %reduce_sum3A_72 = arith.constant dense<0.000000e+00> : vector<1024xf32>
    %reduce_sum3A_73 = vector.multi_reduction <add>, %mul3A_71, %reduce_sum3A_72 [1] : vector<1024x32xf32> to vector<1024xf32>
    %broadcast_in_dim3A_74 = vector.shape_cast %reduce_sum3A_73 : vector<1024xf32> to vector<1024x1xf32>
    %mul3A_75 = arith.constant 5.000000e-01 : f32
    %mul3A_76 = vector.broadcast %mul3A_75 : f32 to vector<1024x1xf32>
    %mul3A_77 = arith.mulf %mul3A_76, %broadcast_in_dim3A_74 : vector<1024x1xf32>
    %sub3A_78 = vector.broadcast %mul3A_77 : vector<1024x1xf32> to vector<1024x512xf32>
    %sub3A_79 = arith.subf %dot_general3A_70, %sub3A_78 : vector<1024x512xf32>
    %argmax3A_80 = tpu.reduce_index %sub3A_79 {axis = 0 : i32, kind = #tpu.reduction_kind<arg_max>} : vector<1024x512xf32> -> vector<512xi32>
    %add3A_81 = arith.constant 3072 : i32
    %add3A_82 = vector.broadcast %add3A_81 : i32 to vector<512xi32>
    %add3A_83 = arith.addi %argmax3A_80, %add3A_82 : vector<512xi32>
    %get3A_84 = arith.constant 0 : index
    %get3A_85 = arith.constant 128 : index
    %get3A_86 = vector.load %arg1[%get3A_84, %get3A_85] : memref<512x1024xf32, #tpu.memory_space<vmem>>, vector<512x32xf32>
    %get3A_87 = arith.constant 4 : index
    %get3A_88 = arith.constant 0 : index
    %get3A_89 = arith.constant 0 : index
    %get3A_90 = vector.load %arg2[%get3A_87, %get3A_88, %get3A_89] : memref<32x1024x32xf32, #tpu.memory_space<vmem>>, vector<1x1024x32xf32>
    %get3A_91 = vector.shape_cast %get3A_90 : vector<1x1024x32xf32> to vector<1024x32xf32>
    %dot_general3A_92 = arith.constant dense<0.000000e+00> : vector<1024x512xf32>
    %dot_general3A_93 = tpu.matmul %get3A_91, %get3A_86, %dot_general3A_92 {dimension_numbers = #tpu.dot_dimension_numbers<[1], [1], [0], [0], [0, 0, 1, 0], [], []>, transpose_lhs_hint = false} : vector<1024x32xf32>, vector<512x32xf32>, vector<1024x512xf32> -> vector<1024x512xf32>
    %mul3A_94 = arith.mulf %get3A_91, %get3A_91 : vector<1024x32xf32>
    %reduce_sum3A_95 = arith.constant dense<0.000000e+00> : vector<1024xf32>
    %reduce_sum3A_96 = vector.multi_reduction <add>, %mul3A_94, %reduce_sum3A_95 [1] : vector<1024x32xf32> to vector<1024xf32>
    %broadcast_in_dim3A_97 = vector.shape_cast %reduce_sum3A_96 : vector<1024xf32> to vector<1024x1xf32>
    %mul3A_98 = arith.constant 5.000000e-01 : f32
    %mul3A_99 = vector.broadcast %mul3A_98 : f32 to vector<1024x1xf32>
    %mul3A_100 = arith.mulf %mul3A_99, %broadcast_in_dim3A_97 : vector<1024x1xf32>
    %sub3A_101 = vector.broadcast %mul3A_100 : vector<1024x1xf32> to vector<1024x512xf32>
    %sub3A_102 = arith.subf %dot_general3A_93, %sub3A_101 : vector<1024x512xf32>
    %argmax3A_103 = tpu.reduce_index %sub3A_102 {axis = 0 : i32, kind = #tpu.reduction_kind<arg_max>} : vector<1024x512xf32> -> vector<512xi32>
    %add3A_104 = arith.constant 4096 : i32
    %add3A_105 = vector.broadcast %add3A_104 : i32 to vector<512xi32>
    %add3A_106 = arith.addi %argmax3A_103, %add3A_105 : vector<512xi32>
    %get3A_107 = arith.constant 0 : index
    %get3A_108 = arith.constant 160 : index
    %get3A_109 = vector.load %arg1[%get3A_107, %get3A_108] : memref<512x1024xf32, #tpu.memory_space<vmem>>, vector<512x32xf32>
    %get3A_110 = arith.constant 5 : index
    %get3A_111 = arith.constant 0 : index
    %get3A_112 = arith.constant 0 : index
    %get3A_113 = vector.load %arg2[%get3A_110, %get3A_111, %get3A_112] : memref<32x1024x32xf32, #tpu.memory_space<vmem>>, vector<1x1024x32xf32>
    %get3A_114 = vector.shape_cast %get3A_113 : vector<1x1024x32xf32> to vector<1024x32xf32>
    %dot_general3A_115 = arith.constant dense<0.000000e+00> : vector<1024x512xf32>
    %dot_general3A_116 = tpu.matmul %get3A_114, %get3A_109, %dot_general3A_115 {dimension_numbers = #tpu.dot_dimension_numbers<[1], [1], [0], [0], [0, 0, 1, 0], [], []>, transpose_lhs_hint = false} : vector<1024x32xf32>, vector<512x32xf32>, vector<1024x512xf32> -> vector<1024x512xf32>
    %mul3A_117 = arith.mulf %get3A_114, %get3A_114 : vector<1024x32xf32>
    %reduce_sum3A_118 = arith.constant dense<0.000000e+00> : vector<1024xf32>
    %reduce_sum3A_119 = vector.multi_reduction <add>, %mul3A_117, %reduce_sum3A_118 [1] : vector<1024x32xf32> to vector<1024xf32>
    %broadcast_in_dim3A_120 = vector.shape_cast %reduce_sum3A_119 : vector<1024xf32> to vector<1024x1xf32>
    %mul3A_121 = arith.constant 5.000000e-01 : f32
    %mul3A_122 = vector.broadcast %mul3A_121 : f32 to vector<1024x1xf32>
    %mul3A_123 = arith.mulf %mul3A_122, %broadcast_in_dim3A_120 : vector<1024x1xf32>
    %sub3A_124 = vector.broadcast %mul3A_123 : vector<1024x1xf32> to vector<1024x512xf32>
    %sub3A_125 = arith.subf %dot_general3A_116, %sub3A_124 : vector<1024x512xf32>
    %argmax3A_126 = tpu.reduce_index %sub3A_125 {axis = 0 : i32, kind = #tpu.reduction_kind<arg_max>} : vector<1024x512xf32> -> vector<512xi32>
    %add3A_127 = arith.constant 5120 : i32
    %add3A_128 = vector.broadcast %add3A_127 : i32 to vector<512xi32>
    %add3A_129 = arith.addi %argmax3A_126, %add3A_128 : vector<512xi32>
    %get3A_130 = arith.constant 0 : index
    %get3A_131 = arith.constant 192 : index
    %get3A_132 = vector.load %arg1[%get3A_130, %get3A_131] : memref<512x1024xf32, #tpu.memory_space<vmem>>, vector<512x32xf32>
    %get3A_133 = arith.constant 6 : index
    %get3A_134 = arith.constant 0 : index
    %get3A_135 = arith.constant 0 : index
    %get3A_136 = vector.load %arg2[%get3A_133, %get3A_134, %get3A_135] : memref<32x1024x32xf32, #tpu.memory_space<vmem>>, vector<1x1024x32xf32>
    %get3A_137 = vector.shape_cast %get3A_136 : vector<1x1024x32xf32> to vector<1024x32xf32>
    %dot_general3A_138 = arith.constant dense<0.000000e+00> : vector<1024x512xf32>
    %dot_general3A_139 = tpu.matmul %get3A_137, %get3A_132, %dot_general3A_138 {dimension_numbers = #tpu.dot_dimension_numbers<[1], [1], [0], [0], [0, 0, 1, 0], [], []>, transpose_lhs_hint = false} : vector<1024x32xf32>, vector<512x32xf32>, vector<1024x512xf32> -> vector<1024x512xf32>
    %mul3A_140 = arith.mulf %get3A_137, %get3A_137 : vector<1024x32xf32>
    %reduce_sum3A_141 = arith.constant dense<0.000000e+00> : vector<1024xf32>
    %reduce_sum3A_142 = vector.multi_reduction <add>, %mul3A_140, %reduce_sum3A_141 [1] : vector<1024x32xf32> to vector<1024xf32>
    %broadcast_in_dim3A_143 = vector.shape_cast %reduce_sum3A_142 : vector<1024xf32> to vector<1024x1xf32>
    %mul3A_144 = arith.constant 5.000000e-01 : f32
    %mul3A_145 = vector.broadcast %mul3A_144 : f32 to vector<1024x1xf32>
    %mul3A_146 = arith.mulf %mul3A_145, %broadcast_in_dim3A_143 : vector<1024x1xf32>
    %sub3A_147 = vector.broadcast %mul3A_146 : vector<1024x1xf32> to vector<1024x512xf32>
    %sub3A_148 = arith.subf %dot_general3A_139, %sub3A_147 : vector<1024x512xf32>
    %argmax3A_149 = tpu.reduce_index %sub3A_148 {axis = 0 : i32, kind = #tpu.reduction_kind<arg_max>} : vector<1024x512xf32> -> vector<512xi32>
    %add3A_150 = arith.constant 6144 : i32
    %add3A_151 = vector.broadcast %add3A_150 : i32 to vector<512xi32>
    %add3A_152 = arith.addi %argmax3A_149, %add3A_151 : vector<512xi32>
    %get3A_153 = arith.constant 0 : index
    %get3A_154 = arith.constant 224 : index
    %get3A_155 = vector.load %arg1[%get3A_153, %get3A_154] : memref<512x1024xf32, #tpu.memory_space<vmem>>, vector<512x32xf32>
    %get3A_156 = arith.constant 7 : index
    %get3A_157 = arith.constant 0 : index
    %get3A_158 = arith.constant 0 : index
    %get3A_159 = vector.load %arg2[%get3A_156, %get3A_157, %get3A_158] : memref<32x1024x32xf32, #tpu.memory_space<vmem>>, vector<1x1024x32xf32>
    %get3A_160 = vector.shape_cast %get3A_159 : vector<1x1024x32xf32> to vector<1024x32xf32>
    %dot_general3A_161 = arith.constant dense<0.000000e+00> : vector<1024x512xf32>
    %dot_general3A_162 = tpu.matmul %get3A_160, %get3A_155, %dot_general3A_161 {dimension_numbers = #tpu.dot_dimension_numbers<[1], [1], [0], [0], [0, 0, 1, 0], [], []>, transpose_lhs_hint = false} : vector<1024x32xf32>, vector<512x32xf32>, vector<1024x512xf32> -> vector<1024x512xf32>
    %mul3A_163 = arith.mulf %get3A_160, %get3A_160 : vector<1024x32xf32>
    %reduce_sum3A_164 = arith.constant dense<0.000000e+00> : vector<1024xf32>
    %reduce_sum3A_165 = vector.multi_reduction <add>, %mul3A_163, %reduce_sum3A_164 [1] : vector<1024x32xf32> to vector<1024xf32>
    %broadcast_in_dim3A_166 = vector.shape_cast %reduce_sum3A_165 : vector<1024xf32> to vector<1024x1xf32>
    %mul3A_167 = arith.constant 5.000000e-01 : f32
    %mul3A_168 = vector.broadcast %mul3A_167 : f32 to vector<1024x1xf32>
    %mul3A_169 = arith.mulf %mul3A_168, %broadcast_in_dim3A_166 : vector<1024x1xf32>
    %sub3A_170 = vector.broadcast %mul3A_169 : vector<1024x1xf32> to vector<1024x512xf32>
    %sub3A_171 = arith.subf %dot_general3A_162, %sub3A_170 : vector<1024x512xf32>
    %argmax3A_172 = tpu.reduce_index %sub3A_171 {axis = 0 : i32, kind = #tpu.reduction_kind<arg_max>} : vector<1024x512xf32> -> vector<512xi32>
    %add3A_173 = arith.constant 7168 : i32
    %add3A_174 = vector.broadcast %add3A_173 : i32 to vector<512xi32>
    %add3A_175 = arith.addi %argmax3A_172, %add3A_174 : vector<512xi32>
    %get3A_176 = arith.constant 0 : index
    %get3A_177 = arith.constant 256 : index
    %get3A_178 = vector.load %arg1[%get3A_176, %get3A_177] : memref<512x1024xf32, #tpu.memory_space<vmem>>, vector<512x32xf32>
    %get3A_179 = arith.constant 8 : index
    %get3A_180 = arith.constant 0 : index
    %get3A_181 = arith.constant 0 : index
    %get3A_182 = vector.load %arg2[%get3A_179, %get3A_180, %get3A_181] : memref<32x1024x32xf32, #tpu.memory_space<vmem>>, vector<1x1024x32xf32>
    %get3A_183 = vector.shape_cast %get3A_182 : vector<1x1024x32xf32> to vector<1024x32xf32>
    %dot_general3A_184 = arith.constant dense<0.000000e+00> : vector<1024x512xf32>
    %dot_general3A_185 = tpu.matmul %get3A_183, %get3A_178, %dot_general3A_184 {dimension_numbers = #tpu.dot_dimension_numbers<[1], [1], [0], [0], [0, 0, 1, 0], [], []>, transpose_lhs_hint = false} : vector<1024x32xf32>, vector<512x32xf32>, vector<1024x512xf32> -> vector<1024x512xf32>
    %mul3A_186 = arith.mulf %get3A_183, %get3A_183 : vector<1024x32xf32>
    %reduce_sum3A_187 = arith.constant dense<0.000000e+00> : vector<1024xf32>
    %reduce_sum3A_188 = vector.multi_reduction <add>, %mul3A_186, %reduce_sum3A_187 [1] : vector<1024x32xf32> to vector<1024xf32>
    %broadcast_in_dim3A_189 = vector.shape_cast %reduce_sum3A_188 : vector<1024xf32> to vector<1024x1xf32>
    %mul3A_190 = arith.constant 5.000000e-01 : f32
    %mul3A_191 = vector.broadcast %mul3A_190 : f32 to vector<1024x1xf32>
    %mul3A_192 = arith.mulf %mul3A_191, %broadcast_in_dim3A_189 : vector<1024x1xf32>
    %sub3A_193 = vector.broadcast %mul3A_192 : vector<1024x1xf32> to vector<1024x512xf32>
    %sub3A_194 = arith.subf %dot_general3A_185, %sub3A_193 : vector<1024x512xf32>
    %argmax3A_195 = tpu.reduce_index %sub3A_194 {axis = 0 : i32, kind = #tpu.reduction_kind<arg_max>} : vector<1024x512xf32> -> vector<512xi32>
    %add3A_196 = arith.constant 8192 : i32
    %add3A_197 = vector.broadcast %add3A_196 : i32 to vector<512xi32>
    %add3A_198 = arith.addi %argmax3A_195, %add3A_197 : vector<512xi32>
    %get3A_199 = arith.constant 0 : index
    %get3A_200 = arith.constant 288 : index
    %get3A_201 = vector.load %arg1[%get3A_199, %get3A_200] : memref<512x1024xf32, #tpu.memory_space<vmem>>, vector<512x32xf32>
    %get3A_202 = arith.constant 9 : index
    %get3A_203 = arith.constant 0 : index
    %get3A_204 = arith.constant 0 : index
    %get3A_205 = vector.load %arg2[%get3A_202, %get3A_203, %get3A_204] : memref<32x1024x32xf32, #tpu.memory_space<vmem>>, vector<1x1024x32xf32>
    %get3A_206 = vector.shape_cast %get3A_205 : vector<1x1024x32xf32> to vector<1024x32xf32>
    %dot_general3A_207 = arith.constant dense<0.000000e+00> : vector<1024x512xf32>
    %dot_general3A_208 = tpu.matmul %get3A_206, %get3A_201, %dot_general3A_207 {dimension_numbers = #tpu.dot_dimension_numbers<[1], [1], [0], [0], [0, 0, 1, 0], [], []>, transpose_lhs_hint = false} : vector<1024x32xf32>, vector<512x32xf32>, vector<1024x512xf32> -> vector<1024x512xf32>
    %mul3A_209 = arith.mulf %get3A_206, %get3A_206 : vector<1024x32xf32>
    %reduce_sum3A_210 = arith.constant dense<0.000000e+00> : vector<1024xf32>
    %reduce_sum3A_211 = vector.multi_reduction <add>, %mul3A_209, %reduce_sum3A_210 [1] : vector<1024x32xf32> to vector<1024xf32>
    %broadcast_in_dim3A_212 = vector.shape_cast %reduce_sum3A_211 : vector<1024xf32> to vector<1024x1xf32>
    %mul3A_213 = arith.constant 5.000000e-01 : f32
    %mul3A_214 = vector.broadcast %mul3A_213 : f32 to vector<1024x1xf32>
    %mul3A_215 = arith.mulf %mul3A_214, %broadcast_in_dim3A_212 : vector<1024x1xf32>
    %sub3A_216 = vector.broadcast %mul3A_215 : vector<1024x1xf32> to vector<1024x512xf32>
    %sub3A_217 = arith.subf %dot_general3A_208, %sub3A_216 : vector<1024x512xf32>
    %argmax3A_218 = tpu.reduce_index %sub3A_217 {axis = 0 : i32, kind = #tpu.reduction_kind<arg_max>} : vector<1024x512xf32> -> vector<512xi32>
    %add3A_219 = arith.constant 9216 : i32
    %add3A_220 = vector.broadcast %add3A_219 : i32 to vector<512xi32>
    %add3A_221 = arith.addi %argmax3A_218, %add3A_220 : vector<512xi32>
    %get3A_222 = arith.constant 0 : index
    %get3A_223 = arith.constant 320 : index
    %get3A_224 = vector.load %arg1[%get3A_222, %get3A_223] : memref<512x1024xf32, #tpu.memory_space<vmem>>, vector<512x32xf32>
    %get3A_225 = arith.constant 10 : index
    %get3A_226 = arith.constant 0 : index
    %get3A_227 = arith.constant 0 : index
    %get3A_228 = vector.load %arg2[%get3A_225, %get3A_226, %get3A_227] : memref<32x1024x32xf32, #tpu.memory_space<vmem>>, vector<1x1024x32xf32>
    %get3A_229 = vector.shape_cast %get3A_228 : vector<1x1024x32xf32> to vector<1024x32xf32>
    %dot_general3A_230 = arith.constant dense<0.000000e+00> : vector<1024x512xf32>
    %dot_general3A_231 = tpu.matmul %get3A_229, %get3A_224, %dot_general3A_230 {dimension_numbers = #tpu.dot_dimension_numbers<[1], [1], [0], [0], [0, 0, 1, 0], [], []>, transpose_lhs_hint = false} : vector<1024x32xf32>, vector<512x32xf32>, vector<1024x512xf32> -> vector<1024x512xf32>
    %mul3A_232 = arith.mulf %get3A_229, %get3A_229 : vector<1024x32xf32>
    %reduce_sum3A_233 = arith.constant dense<0.000000e+00> : vector<1024xf32>
    %reduce_sum3A_234 = vector.multi_reduction <add>, %mul3A_232, %reduce_sum3A_233 [1] : vector<1024x32xf32> to vector<1024xf32>
    %broadcast_in_dim3A_235 = vector.shape_cast %reduce_sum3A_234 : vector<1024xf32> to vector<1024x1xf32>
    %mul3A_236 = arith.constant 5.000000e-01 : f32
    %mul3A_237 = vector.broadcast %mul3A_236 : f32 to vector<1024x1xf32>
    %mul3A_238 = arith.mulf %mul3A_237, %broadcast_in_dim3A_235 : vector<1024x1xf32>
    %sub3A_239 = vector.broadcast %mul3A_238 : vector<1024x1xf32> to vector<1024x512xf32>
    %sub3A_240 = arith.subf %dot_general3A_231, %sub3A_239 : vector<1024x512xf32>
    %argmax3A_241 = tpu.reduce_index %sub3A_240 {axis = 0 : i32, kind = #tpu.reduction_kind<arg_max>} : vector<1024x512xf32> -> vector<512xi32>
    %add3A_242 = arith.constant 10240 : i32
    %add3A_243 = vector.broadcast %add3A_242 : i32 to vector<512xi32>
    %add3A_244 = arith.addi %argmax3A_241, %add3A_243 : vector<512xi32>
    %get3A_245 = arith.constant 0 : index
    %get3A_246 = arith.constant 352 : index
    %get3A_247 = vector.load %arg1[%get3A_245, %get3A_246] : memref<512x1024xf32, #tpu.memory_space<vmem>>, vector<512x32xf32>
    %get3A_248 = arith.constant 11 : index
    %get3A_249 = arith.constant 0 : index
    %get3A_250 = arith.constant 0 : index
    %get3A_251 = vector.load %arg2[%get3A_248, %get3A_249, %get3A_250] : memref<32x1024x32xf32, #tpu.memory_space<vmem>>, vector<1x1024x32xf32>
    %get3A_252 = vector.shape_cast %get3A_251 : vector<1x1024x32xf32> to vector<1024x32xf32>
    %dot_general3A_253 = arith.constant dense<0.000000e+00> : vector<1024x512xf32>
    %dot_general3A_254 = tpu.matmul %get3A_252, %get3A_247, %dot_general3A_253 {dimension_numbers = #tpu.dot_dimension_numbers<[1], [1], [0], [0], [0, 0, 1, 0], [], []>, transpose_lhs_hint = false} : vector<1024x32xf32>, vector<512x32xf32>, vector<1024x512xf32> -> vector<1024x512xf32>
    %mul3A_255 = arith.mulf %get3A_252, %get3A_252 : vector<1024x32xf32>
    %reduce_sum3A_256 = arith.constant dense<0.000000e+00> : vector<1024xf32>
    %reduce_sum3A_257 = vector.multi_reduction <add>, %mul3A_255, %reduce_sum3A_256 [1] : vector<1024x32xf32> to vector<1024xf32>
    %broadcast_in_dim3A_258 = vector.shape_cast %reduce_sum3A_257 : vector<1024xf32> to vector<1024x1xf32>
    %mul3A_259 = arith.constant 5.000000e-01 : f32
    %mul3A_260 = vector.broadcast %mul3A_259 : f32 to vector<1024x1xf32>
    %mul3A_261 = arith.mulf %mul3A_260, %broadcast_in_dim3A_258 : vector<1024x1xf32>
    %sub3A_262 = vector.broadcast %mul3A_261 : vector<1024x1xf32> to vector<1024x512xf32>
    %sub3A_263 = arith.subf %dot_general3A_254, %sub3A_262 : vector<1024x512xf32>
    %argmax3A_264 = tpu.reduce_index %sub3A_263 {axis = 0 : i32, kind = #tpu.reduction_kind<arg_max>} : vector<1024x512xf32> -> vector<512xi32>
    %add3A_265 = arith.constant 11264 : i32
    %add3A_266 = vector.broadcast %add3A_265 : i32 to vector<512xi32>
    %add3A_267 = arith.addi %argmax3A_264, %add3A_266 : vector<512xi32>
    %get3A_268 = arith.constant 0 : index
    %get3A_269 = arith.constant 384 : index
    %get3A_270 = vector.load %arg1[%get3A_268, %get3A_269] : memref<512x1024xf32, #tpu.memory_space<vmem>>, vector<512x32xf32>
    %get3A_271 = arith.constant 12 : index
    %get3A_272 = arith.constant 0 : index
    %get3A_273 = arith.constant 0 : index
    %get3A_274 = vector.load %arg2[%get3A_271, %get3A_272, %get3A_273] : memref<32x1024x32xf32, #tpu.memory_space<vmem>>, vector<1x1024x32xf32>
    %get3A_275 = vector.shape_cast %get3A_274 : vector<1x1024x32xf32> to vector<1024x32xf32>
    %dot_general3A_276 = arith.constant dense<0.000000e+00> : vector<1024x512xf32>
    %dot_general3A_277 = tpu.matmul %get3A_275, %get3A_270, %dot_general3A_276 {dimension_numbers = #tpu.dot_dimension_numbers<[1], [1], [0], [0], [0, 0, 1, 0], [], []>, transpose_lhs_hint = false} : vector<1024x32xf32>, vector<512x32xf32>, vector<1024x512xf32> -> vector<1024x512xf32>
    %mul3A_278 = arith.mulf %get3A_275, %get3A_275 : vector<1024x32xf32>
    %reduce_sum3A_279 = arith.constant dense<0.000000e+00> : vector<1024xf32>
    %reduce_sum3A_280 = vector.multi_reduction <add>, %mul3A_278, %reduce_sum3A_279 [1] : vector<1024x32xf32> to vector<1024xf32>
    %broadcast_in_dim3A_281 = vector.shape_cast %reduce_sum3A_280 : vector<1024xf32> to vector<1024x1xf32>
    %mul3A_282 = arith.constant 5.000000e-01 : f32
    %mul3A_283 = vector.broadcast %mul3A_282 : f32 to vector<1024x1xf32>
    %mul3A_284 = arith.mulf %mul3A_283, %broadcast_in_dim3A_281 : vector<1024x1xf32>
    %sub3A_285 = vector.broadcast %mul3A_284 : vector<1024x1xf32> to vector<1024x512xf32>
    %sub3A_286 = arith.subf %dot_general3A_277, %sub3A_285 : vector<1024x512xf32>
    %argmax3A_287 = tpu.reduce_index %sub3A_286 {axis = 0 : i32, kind = #tpu.reduction_kind<arg_max>} : vector<1024x512xf32> -> vector<512xi32>
    %add3A_288 = arith.constant 12288 : i32
    %add3A_289 = vector.broadcast %add3A_288 : i32 to vector<512xi32>
    %add3A_290 = arith.addi %argmax3A_287, %add3A_289 : vector<512xi32>
    %get3A_291 = arith.constant 0 : index
    %get3A_292 = arith.constant 416 : index
    %get3A_293 = vector.load %arg1[%get3A_291, %get3A_292] : memref<512x1024xf32, #tpu.memory_space<vmem>>, vector<512x32xf32>
    %get3A_294 = arith.constant 13 : index
    %get3A_295 = arith.constant 0 : index
    %get3A_296 = arith.constant 0 : index
    %get3A_297 = vector.load %arg2[%get3A_294, %get3A_295, %get3A_296] : memref<32x1024x32xf32, #tpu.memory_space<vmem>>, vector<1x1024x32xf32>
    %get3A_298 = vector.shape_cast %get3A_297 : vector<1x1024x32xf32> to vector<1024x32xf32>
    %dot_general3A_299 = arith.constant dense<0.000000e+00> : vector<1024x512xf32>
    %dot_general3A_300 = tpu.matmul %get3A_298, %get3A_293, %dot_general3A_299 {dimension_numbers = #tpu.dot_dimension_numbers<[1], [1], [0], [0], [0, 0, 1, 0], [], []>, transpose_lhs_hint = false} : vector<1024x32xf32>, vector<512x32xf32>, vector<1024x512xf32> -> vector<1024x512xf32>
    %mul3A_301 = arith.mulf %get3A_298, %get3A_298 : vector<1024x32xf32>
    %reduce_sum3A_302 = arith.constant dense<0.000000e+00> : vector<1024xf32>
    %reduce_sum3A_303 = vector.multi_reduction <add>, %mul3A_301, %reduce_sum3A_302 [1] : vector<1024x32xf32> to vector<1024xf32>
    %broadcast_in_dim3A_304 = vector.shape_cast %reduce_sum3A_303 : vector<1024xf32> to vector<1024x1xf32>
    %mul3A_305 = arith.constant 5.000000e-01 : f32
    %mul3A_306 = vector.broadcast %mul3A_305 : f32 to vector<1024x1xf32>
    %mul3A_307 = arith.mulf %mul3A_306, %broadcast_in_dim3A_304 : vector<1024x1xf32>
    %sub3A_308 = vector.broadcast %mul3A_307 : vector<1024x1xf32> to vector<1024x512xf32>
    %sub3A_309 = arith.subf %dot_general3A_300, %sub3A_308 : vector<1024x512xf32>
    %argmax3A_310 = tpu.reduce_index %sub3A_309 {axis = 0 : i32, kind = #tpu.reduction_kind<arg_max>} : vector<1024x512xf32> -> vector<512xi32>
    %add3A_311 = arith.constant 13312 : i32
    %add3A_312 = vector.broadcast %add3A_311 : i32 to vector<512xi32>
    %add3A_313 = arith.addi %argmax3A_310, %add3A_312 : vector<512xi32>
    %get3A_314 = arith.constant 0 : index
    %get3A_315 = arith.constant 448 : index
    %get3A_316 = vector.load %arg1[%get3A_314, %get3A_315] : memref<512x1024xf32, #tpu.memory_space<vmem>>, vector<512x32xf32>
    %get3A_317 = arith.constant 14 : index
    %get3A_318 = arith.constant 0 : index
    %get3A_319 = arith.constant 0 : index
    %get3A_320 = vector.load %arg2[%get3A_317, %get3A_318, %get3A_319] : memref<32x1024x32xf32, #tpu.memory_space<vmem>>, vector<1x1024x32xf32>
    %get3A_321 = vector.shape_cast %get3A_320 : vector<1x1024x32xf32> to vector<1024x32xf32>
    %dot_general3A_322 = arith.constant dense<0.000000e+00> : vector<1024x512xf32>
    %dot_general3A_323 = tpu.matmul %get3A_321, %get3A_316, %dot_general3A_322 {dimension_numbers = #tpu.dot_dimension_numbers<[1], [1], [0], [0], [0, 0, 1, 0], [], []>, transpose_lhs_hint = false} : vector<1024x32xf32>, vector<512x32xf32>, vector<1024x512xf32> -> vector<1024x512xf32>
    %mul3A_324 = arith.mulf %get3A_321, %get3A_321 : vector<1024x32xf32>
    %reduce_sum3A_325 = arith.constant dense<0.000000e+00> : vector<1024xf32>
    %reduce_sum3A_326 = vector.multi_reduction <add>, %mul3A_324, %reduce_sum3A_325 [1] : vector<1024x32xf32> to vector<1024xf32>
    %broadcast_in_dim3A_327 = vector.shape_cast %reduce_sum3A_326 : vector<1024xf32> to vector<1024x1xf32>
    %mul3A_328 = arith.constant 5.000000e-01 : f32
    %mul3A_329 = vector.broadcast %mul3A_328 : f32 to vector<1024x1xf32>
    %mul3A_330 = arith.mulf %mul3A_329, %broadcast_in_dim3A_327 : vector<1024x1xf32>
    %sub3A_331 = vector.broadcast %mul3A_330 : vector<1024x1xf32> to vector<1024x512xf32>
    %sub3A_332 = arith.subf %dot_general3A_323, %sub3A_331 : vector<1024x512xf32>
    %argmax3A_333 = tpu.reduce_index %sub3A_332 {axis = 0 : i32, kind = #tpu.reduction_kind<arg_max>} : vector<1024x512xf32> -> vector<512xi32>
    %add3A_334 = arith.constant 14336 : i32
    %add3A_335 = vector.broadcast %add3A_334 : i32 to vector<512xi32>
    %add3A_336 = arith.addi %argmax3A_333, %add3A_335 : vector<512xi32>
    %get3A_337 = arith.constant 0 : index
    %get3A_338 = arith.constant 480 : index
    %get3A_339 = vector.load %arg1[%get3A_337, %get3A_338] : memref<512x1024xf32, #tpu.memory_space<vmem>>, vector<512x32xf32>
    %get3A_340 = arith.constant 15 : index
    %get3A_341 = arith.constant 0 : index
    %get3A_342 = arith.constant 0 : index
    %get3A_343 = vector.load %arg2[%get3A_340, %get3A_341, %get3A_342] : memref<32x1024x32xf32, #tpu.memory_space<vmem>>, vector<1x1024x32xf32>
    %get3A_344 = vector.shape_cast %get3A_343 : vector<1x1024x32xf32> to vector<1024x32xf32>
    %dot_general3A_345 = arith.constant dense<0.000000e+00> : vector<1024x512xf32>
    %dot_general3A_346 = tpu.matmul %get3A_344, %get3A_339, %dot_general3A_345 {dimension_numbers = #tpu.dot_dimension_numbers<[1], [1], [0], [0], [0, 0, 1, 0], [], []>, transpose_lhs_hint = false} : vector<1024x32xf32>, vector<512x32xf32>, vector<1024x512xf32> -> vector<1024x512xf32>
    %mul3A_347 = arith.mulf %get3A_344, %get3A_344 : vector<1024x32xf32>
    %reduce_sum3A_348 = arith.constant dense<0.000000e+00> : vector<1024xf32>
    %reduce_sum3A_349 = vector.multi_reduction <add>, %mul3A_347, %reduce_sum3A_348 [1] : vector<1024x32xf32> to vector<1024xf32>
    %broadcast_in_dim3A_350 = vector.shape_cast %reduce_sum3A_349 : vector<1024xf32> to vector<1024x1xf32>
    %mul3A_351 = arith.constant 5.000000e-01 : f32
    %mul3A_352 = vector.broadcast %mul3A_351 : f32 to vector<1024x1xf32>
    %mul3A_353 = arith.mulf %mul3A_352, %broadcast_in_dim3A_350 : vector<1024x1xf32>
    %sub3A_354 = vector.broadcast %mul3A_353 : vector<1024x1xf32> to vector<1024x512xf32>
    %sub3A_355 = arith.subf %dot_general3A_346, %sub3A_354 : vector<1024x512xf32>
    %argmax3A_356 = tpu.reduce_index %sub3A_355 {axis = 0 : i32, kind = #tpu.reduction_kind<arg_max>} : vector<1024x512xf32> -> vector<512xi32>
    %add3A_357 = arith.constant 15360 : i32
    %add3A_358 = vector.broadcast %add3A_357 : i32 to vector<512xi32>
    %add3A_359 = arith.addi %argmax3A_356, %add3A_358 : vector<512xi32>
    %get3A_360 = arith.constant 0 : index
    %get3A_361 = arith.constant 512 : index
    %get3A_362 = vector.load %arg1[%get3A_360, %get3A_361] : memref<512x1024xf32, #tpu.memory_space<vmem>>, vector<512x32xf32>
    %get3A_363 = arith.constant 16 : index
    %get3A_364 = arith.constant 0 : index
    %get3A_365 = arith.constant 0 : index
    %get3A_366 = vector.load %arg2[%get3A_363, %get3A_364, %get3A_365] : memref<32x1024x32xf32, #tpu.memory_space<vmem>>, vector<1x1024x32xf32>
    %get3A_367 = vector.shape_cast %get3A_366 : vector<1x1024x32xf32> to vector<1024x32xf32>
    %dot_general3A_368 = arith.constant dense<0.000000e+00> : vector<1024x512xf32>
    %dot_general3A_369 = tpu.matmul %get3A_367, %get3A_362, %dot_general3A_368 {dimension_numbers = #tpu.dot_dimension_numbers<[1], [1], [0], [0], [0, 0, 1, 0], [], []>, transpose_lhs_hint = false} : vector<1024x32xf32>, vector<512x32xf32>, vector<1024x512xf32> -> vector<1024x512xf32>
    %mul3A_370 = arith.mulf %get3A_367, %get3A_367 : vector<1024x32xf32>
    %reduce_sum3A_371 = arith.constant dense<0.000000e+00> : vector<1024xf32>
    %reduce_sum3A_372 = vector.multi_reduction <add>, %mul3A_370, %reduce_sum3A_371 [1] : vector<1024x32xf32> to vector<1024xf32>
    %broadcast_in_dim3A_373 = vector.shape_cast %reduce_sum3A_372 : vector<1024xf32> to vector<1024x1xf32>
    %mul3A_374 = arith.constant 5.000000e-01 : f32
    %mul3A_375 = vector.broadcast %mul3A_374 : f32 to vector<1024x1xf32>
    %mul3A_376 = arith.mulf %mul3A_375, %broadcast_in_dim3A_373 : vector<1024x1xf32>
    %sub3A_377 = vector.broadcast %mul3A_376 : vector<1024x1xf32> to vector<1024x512xf32>
    %sub3A_378 = arith.subf %dot_general3A_369, %sub3A_377 : vector<1024x512xf32>
    %argmax3A_379 = tpu.reduce_index %sub3A_378 {axis = 0 : i32, kind = #tpu.reduction_kind<arg_max>} : vector<1024x512xf32> -> vector<512xi32>
    %add3A_380 = arith.constant 16384 : i32
    %add3A_381 = vector.broadcast %add3A_380 : i32 to vector<512xi32>
    %add3A_382 = arith.addi %argmax3A_379, %add3A_381 : vector<512xi32>
    %get3A_383 = arith.constant 0 : index
    %get3A_384 = arith.constant 544 : index
    %get3A_385 = vector.load %arg1[%get3A_383, %get3A_384] : memref<512x1024xf32, #tpu.memory_space<vmem>>, vector<512x32xf32>
    %get3A_386 = arith.constant 17 : index
    %get3A_387 = arith.constant 0 : index
    %get3A_388 = arith.constant 0 : index
    %get3A_389 = vector.load %arg2[%get3A_386, %get3A_387, %get3A_388] : memref<32x1024x32xf32, #tpu.memory_space<vmem>>, vector<1x1024x32xf32>
    %get3A_390 = vector.shape_cast %get3A_389 : vector<1x1024x32xf32> to vector<1024x32xf32>
    %dot_general3A_391 = arith.constant dense<0.000000e+00> : vector<1024x512xf32>
    %dot_general3A_392 = tpu.matmul %get3A_390, %get3A_385, %dot_general3A_391 {dimension_numbers = #tpu.dot_dimension_numbers<[1], [1], [0], [0], [0, 0, 1, 0], [], []>, transpose_lhs_hint = false} : vector<1024x32xf32>, vector<512x32xf32>, vector<1024x512xf32> -> vector<1024x512xf32>
    %mul3A_393 = arith.mulf %get3A_390, %get3A_390 : vector<1024x32xf32>
    %reduce_sum3A_394 = arith.constant dense<0.000000e+00> : vector<1024xf32>
    %reduce_sum3A_395 = vector.multi_reduction <add>, %mul3A_393, %reduce_sum3A_394 [1] : vector<1024x32xf32> to vector<1024xf32>
    %broadcast_in_dim3A_396 = vector.shape_cast %reduce_sum3A_395 : vector<1024xf32> to vector<1024x1xf32>
    %mul3A_397 = arith.constant 5.000000e-01 : f32
    %mul3A_398 = vector.broadcast %mul3A_397 : f32 to vector<1024x1xf32>
    %mul3A_399 = arith.mulf %mul3A_398, %broadcast_in_dim3A_396 : vector<1024x1xf32>
    %sub3A_400 = vector.broadcast %mul3A_399 : vector<1024x1xf32> to vector<1024x512xf32>
    %sub3A_401 = arith.subf %dot_general3A_392, %sub3A_400 : vector<1024x512xf32>
    %argmax3A_402 = tpu.reduce_index %sub3A_401 {axis = 0 : i32, kind = #tpu.reduction_kind<arg_max>} : vector<1024x512xf32> -> vector<512xi32>
    %add3A_403 = arith.constant 17408 : i32
    %add3A_404 = vector.broadcast %add3A_403 : i32 to vector<512xi32>
    %add3A_405 = arith.addi %argmax3A_402, %add3A_404 : vector<512xi32>
    %get3A_406 = arith.constant 0 : index
    %get3A_407 = arith.constant 576 : index
    %get3A_408 = vector.load %arg1[%get3A_406, %get3A_407] : memref<512x1024xf32, #tpu.memory_space<vmem>>, vector<512x32xf32>
    %get3A_409 = arith.constant 18 : index
    %get3A_410 = arith.constant 0 : index
    %get3A_411 = arith.constant 0 : index
    %get3A_412 = vector.load %arg2[%get3A_409, %get3A_410, %get3A_411] : memref<32x1024x32xf32, #tpu.memory_space<vmem>>, vector<1x1024x32xf32>
    %get3A_413 = vector.shape_cast %get3A_412 : vector<1x1024x32xf32> to vector<1024x32xf32>
    %dot_general3A_414 = arith.constant dense<0.000000e+00> : vector<1024x512xf32>
    %dot_general3A_415 = tpu.matmul %get3A_413, %get3A_408, %dot_general3A_414 {dimension_numbers = #tpu.dot_dimension_numbers<[1], [1], [0], [0], [0, 0, 1, 0], [], []>, transpose_lhs_hint = false} : vector<1024x32xf32>, vector<512x32xf32>, vector<1024x512xf32> -> vector<1024x512xf32>
    %mul3A_416 = arith.mulf %get3A_413, %get3A_413 : vector<1024x32xf32>
    %reduce_sum3A_417 = arith.constant dense<0.000000e+00> : vector<1024xf32>
    %reduce_sum3A_418 = vector.multi_reduction <add>, %mul3A_416, %reduce_sum3A_417 [1] : vector<1024x32xf32> to vector<1024xf32>
    %broadcast_in_dim3A_419 = vector.shape_cast %reduce_sum3A_418 : vector<1024xf32> to vector<1024x1xf32>
    %mul3A_420 = arith.constant 5.000000e-01 : f32
    %mul3A_421 = vector.broadcast %mul3A_420 : f32 to vector<1024x1xf32>
    %mul3A_422 = arith.mulf %mul3A_421, %broadcast_in_dim3A_419 : vector<1024x1xf32>
    %sub3A_423 = vector.broadcast %mul3A_422 : vector<1024x1xf32> to vector<1024x512xf32>
    %sub3A_424 = arith.subf %dot_general3A_415, %sub3A_423 : vector<1024x512xf32>
    %argmax3A_425 = tpu.reduce_index %sub3A_424 {axis = 0 : i32, kind = #tpu.reduction_kind<arg_max>} : vector<1024x512xf32> -> vector<512xi32>
    %add3A_426 = arith.constant 18432 : i32
    %add3A_427 = vector.broadcast %add3A_426 : i32 to vector<512xi32>
    %add3A_428 = arith.addi %argmax3A_425, %add3A_427 : vector<512xi32>
    %get3A_429 = arith.constant 0 : index
    %get3A_430 = arith.constant 608 : index
    %get3A_431 = vector.load %arg1[%get3A_429, %get3A_430] : memref<512x1024xf32, #tpu.memory_space<vmem>>, vector<512x32xf32>
    %get3A_432 = arith.constant 19 : index
    %get3A_433 = arith.constant 0 : index
    %get3A_434 = arith.constant 0 : index
    %get3A_435 = vector.load %arg2[%get3A_432, %get3A_433, %get3A_434] : memref<32x1024x32xf32, #tpu.memory_space<vmem>>, vector<1x1024x32xf32>
    %get3A_436 = vector.shape_cast %get3A_435 : vector<1x1024x32xf32> to vector<1024x32xf32>
    %dot_general3A_437 = arith.constant dense<0.000000e+00> : vector<1024x512xf32>
    %dot_general3A_438 = tpu.matmul %get3A_436, %get3A_431, %dot_general3A_437 {dimension_numbers = #tpu.dot_dimension_numbers<[1], [1], [0], [0], [0, 0, 1, 0], [], []>, transpose_lhs_hint = false} : vector<1024x32xf32>, vector<512x32xf32>, vector<1024x512xf32> -> vector<1024x512xf32>
    %mul3A_439 = arith.mulf %get3A_436, %get3A_436 : vector<1024x32xf32>
    %reduce_sum3A_440 = arith.constant dense<0.000000e+00> : vector<1024xf32>
    %reduce_sum3A_441 = vector.multi_reduction <add>, %mul3A_439, %reduce_sum3A_440 [1] : vector<1024x32xf32> to vector<1024xf32>
    %broadcast_in_dim3A_442 = vector.shape_cast %reduce_sum3A_441 : vector<1024xf32> to vector<1024x1xf32>
    %mul3A_443 = arith.constant 5.000000e-01 : f32
    %mul3A_444 = vector.broadcast %mul3A_443 : f32 to vector<1024x1xf32>
    %mul3A_445 = arith.mulf %mul3A_444, %broadcast_in_dim3A_442 : vector<1024x1xf32>
    %sub3A_446 = vector.broadcast %mul3A_445 : vector<1024x1xf32> to vector<1024x512xf32>
    %sub3A_447 = arith.subf %dot_general3A_438, %sub3A_446 : vector<1024x512xf32>
    %argmax3A_448 = tpu.reduce_index %sub3A_447 {axis = 0 : i32, kind = #tpu.reduction_kind<arg_max>} : vector<1024x512xf32> -> vector<512xi32>
    %add3A_449 = arith.constant 19456 : i32
    %add3A_450 = vector.broadcast %add3A_449 : i32 to vector<512xi32>
    %add3A_451 = arith.addi %argmax3A_448, %add3A_450 : vector<512xi32>
    %get3A_452 = arith.constant 0 : index
    %get3A_453 = arith.constant 640 : index
    %get3A_454 = vector.load %arg1[%get3A_452, %get3A_453] : memref<512x1024xf32, #tpu.memory_space<vmem>>, vector<512x32xf32>
    %get3A_455 = arith.constant 20 : index
    %get3A_456 = arith.constant 0 : index
    %get3A_457 = arith.constant 0 : index
    %get3A_458 = vector.load %arg2[%get3A_455, %get3A_456, %get3A_457] : memref<32x1024x32xf32, #tpu.memory_space<vmem>>, vector<1x1024x32xf32>
    %get3A_459 = vector.shape_cast %get3A_458 : vector<1x1024x32xf32> to vector<1024x32xf32>
    %dot_general3A_460 = arith.constant dense<0.000000e+00> : vector<1024x512xf32>
    %dot_general3A_461 = tpu.matmul %get3A_459, %get3A_454, %dot_general3A_460 {dimension_numbers = #tpu.dot_dimension_numbers<[1], [1], [0], [0], [0, 0, 1, 0], [], []>, transpose_lhs_hint = false} : vector<1024x32xf32>, vector<512x32xf32>, vector<1024x512xf32> -> vector<1024x512xf32>
    %mul3A_462 = arith.mulf %get3A_459, %get3A_459 : vector<1024x32xf32>
    %reduce_sum3A_463 = arith.constant dense<0.000000e+00> : vector<1024xf32>
    %reduce_sum3A_464 = vector.multi_reduction <add>, %mul3A_462, %reduce_sum3A_463 [1] : vector<1024x32xf32> to vector<1024xf32>
    %broadcast_in_dim3A_465 = vector.shape_cast %reduce_sum3A_464 : vector<1024xf32> to vector<1024x1xf32>
    %mul3A_466 = arith.constant 5.000000e-01 : f32
    %mul3A_467 = vector.broadcast %mul3A_466 : f32 to vector<1024x1xf32>
    %mul3A_468 = arith.mulf %mul3A_467, %broadcast_in_dim3A_465 : vector<1024x1xf32>
    %sub3A_469 = vector.broadcast %mul3A_468 : vector<1024x1xf32> to vector<1024x512xf32>
    %sub3A_470 = arith.subf %dot_general3A_461, %sub3A_469 : vector<1024x512xf32>
    %argmax3A_471 = tpu.reduce_index %sub3A_470 {axis = 0 : i32, kind = #tpu.reduction_kind<arg_max>} : vector<1024x512xf32> -> vector<512xi32>
    %add3A_472 = arith.constant 20480 : i32
    %add3A_473 = vector.broadcast %add3A_472 : i32 to vector<512xi32>
    %add3A_474 = arith.addi %argmax3A_471, %add3A_473 : vector<512xi32>
    %get3A_475 = arith.constant 0 : index
    %get3A_476 = arith.constant 672 : index
    %get3A_477 = vector.load %arg1[%get3A_475, %get3A_476] : memref<512x1024xf32, #tpu.memory_space<vmem>>, vector<512x32xf32>
    %get3A_478 = arith.constant 21 : index
    %get3A_479 = arith.constant 0 : index
    %get3A_480 = arith.constant 0 : index
    %get3A_481 = vector.load %arg2[%get3A_478, %get3A_479, %get3A_480] : memref<32x1024x32xf32, #tpu.memory_space<vmem>>, vector<1x1024x32xf32>
    %get3A_482 = vector.shape_cast %get3A_481 : vector<1x1024x32xf32> to vector<1024x32xf32>
    %dot_general3A_483 = arith.constant dense<0.000000e+00> : vector<1024x512xf32>
    %dot_general3A_484 = tpu.matmul %get3A_482, %get3A_477, %dot_general3A_483 {dimension_numbers = #tpu.dot_dimension_numbers<[1], [1], [0], [0], [0, 0, 1, 0], [], []>, transpose_lhs_hint = false} : vector<1024x32xf32>, vector<512x32xf32>, vector<1024x512xf32> -> vector<1024x512xf32>
    %mul3A_485 = arith.mulf %get3A_482, %get3A_482 : vector<1024x32xf32>
    %reduce_sum3A_486 = arith.constant dense<0.000000e+00> : vector<1024xf32>
    %reduce_sum3A_487 = vector.multi_reduction <add>, %mul3A_485, %reduce_sum3A_486 [1] : vector<1024x32xf32> to vector<1024xf32>
    %broadcast_in_dim3A_488 = vector.shape_cast %reduce_sum3A_487 : vector<1024xf32> to vector<1024x1xf32>
    %mul3A_489 = arith.constant 5.000000e-01 : f32
    %mul3A_490 = vector.broadcast %mul3A_489 : f32 to vector<1024x1xf32>
    %mul3A_491 = arith.mulf %mul3A_490, %broadcast_in_dim3A_488 : vector<1024x1xf32>
    %sub3A_492 = vector.broadcast %mul3A_491 : vector<1024x1xf32> to vector<1024x512xf32>
    %sub3A_493 = arith.subf %dot_general3A_484, %sub3A_492 : vector<1024x512xf32>
    %argmax3A_494 = tpu.reduce_index %sub3A_493 {axis = 0 : i32, kind = #tpu.reduction_kind<arg_max>} : vector<1024x512xf32> -> vector<512xi32>
    %add3A_495 = arith.constant 21504 : i32
    %add3A_496 = vector.broadcast %add3A_495 : i32 to vector<512xi32>
    %add3A_497 = arith.addi %argmax3A_494, %add3A_496 : vector<512xi32>
    %get3A_498 = arith.constant 0 : index
    %get3A_499 = arith.constant 704 : index
    %get3A_500 = vector.load %arg1[%get3A_498, %get3A_499] : memref<512x1024xf32, #tpu.memory_space<vmem>>, vector<512x32xf32>
    %get3A_501 = arith.constant 22 : index
    %get3A_502 = arith.constant 0 : index
    %get3A_503 = arith.constant 0 : index
    %get3A_504 = vector.load %arg2[%get3A_501, %get3A_502, %get3A_503] : memref<32x1024x32xf32, #tpu.memory_space<vmem>>, vector<1x1024x32xf32>
    %get3A_505 = vector.shape_cast %get3A_504 : vector<1x1024x32xf32> to vector<1024x32xf32>
    %dot_general3A_506 = arith.constant dense<0.000000e+00> : vector<1024x512xf32>
    %dot_general3A_507 = tpu.matmul %get3A_505, %get3A_500, %dot_general3A_506 {dimension_numbers = #tpu.dot_dimension_numbers<[1], [1], [0], [0], [0, 0, 1, 0], [], []>, transpose_lhs_hint = false} : vector<1024x32xf32>, vector<512x32xf32>, vector<1024x512xf32> -> vector<1024x512xf32>
    %mul3A_508 = arith.mulf %get3A_505, %get3A_505 : vector<1024x32xf32>
    %reduce_sum3A_509 = arith.constant dense<0.000000e+00> : vector<1024xf32>
    %reduce_sum3A_510 = vector.multi_reduction <add>, %mul3A_508, %reduce_sum3A_509 [1] : vector<1024x32xf32> to vector<1024xf32>
    %broadcast_in_dim3A_511 = vector.shape_cast %reduce_sum3A_510 : vector<1024xf32> to vector<1024x1xf32>
    %mul3A_512 = arith.constant 5.000000e-01 : f32
    %mul3A_513 = vector.broadcast %mul3A_512 : f32 to vector<1024x1xf32>
    %mul3A_514 = arith.mulf %mul3A_513, %broadcast_in_dim3A_511 : vector<1024x1xf32>
    %sub3A_515 = vector.broadcast %mul3A_514 : vector<1024x1xf32> to vector<1024x512xf32>
    %sub3A_516 = arith.subf %dot_general3A_507, %sub3A_515 : vector<1024x512xf32>
    %argmax3A_517 = tpu.reduce_index %sub3A_516 {axis = 0 : i32, kind = #tpu.reduction_kind<arg_max>} : vector<1024x512xf32> -> vector<512xi32>
    %add3A_518 = arith.constant 22528 : i32
    %add3A_519 = vector.broadcast %add3A_518 : i32 to vector<512xi32>
    %add3A_520 = arith.addi %argmax3A_517, %add3A_519 : vector<512xi32>
    %get3A_521 = arith.constant 0 : index
    %get3A_522 = arith.constant 736 : index
    %get3A_523 = vector.load %arg1[%get3A_521, %get3A_522] : memref<512x1024xf32, #tpu.memory_space<vmem>>, vector<512x32xf32>
    %get3A_524 = arith.constant 23 : index
    %get3A_525 = arith.constant 0 : index
    %get3A_526 = arith.constant 0 : index
    %get3A_527 = vector.load %arg2[%get3A_524, %get3A_525, %get3A_526] : memref<32x1024x32xf32, #tpu.memory_space<vmem>>, vector<1x1024x32xf32>
    %get3A_528 = vector.shape_cast %get3A_527 : vector<1x1024x32xf32> to vector<1024x32xf32>
    %dot_general3A_529 = arith.constant dense<0.000000e+00> : vector<1024x512xf32>
    %dot_general3A_530 = tpu.matmul %get3A_528, %get3A_523, %dot_general3A_529 {dimension_numbers = #tpu.dot_dimension_numbers<[1], [1], [0], [0], [0, 0, 1, 0], [], []>, transpose_lhs_hint = false} : vector<1024x32xf32>, vector<512x32xf32>, vector<1024x512xf32> -> vector<1024x512xf32>
    %mul3A_531 = arith.mulf %get3A_528, %get3A_528 : vector<1024x32xf32>
    %reduce_sum3A_532 = arith.constant dense<0.000000e+00> : vector<1024xf32>
    %reduce_sum3A_533 = vector.multi_reduction <add>, %mul3A_531, %reduce_sum3A_532 [1] : vector<1024x32xf32> to vector<1024xf32>
    %broadcast_in_dim3A_534 = vector.shape_cast %reduce_sum3A_533 : vector<1024xf32> to vector<1024x1xf32>
    %mul3A_535 = arith.constant 5.000000e-01 : f32
    %mul3A_536 = vector.broadcast %mul3A_535 : f32 to vector<1024x1xf32>
    %mul3A_537 = arith.mulf %mul3A_536, %broadcast_in_dim3A_534 : vector<1024x1xf32>
    %sub3A_538 = vector.broadcast %mul3A_537 : vector<1024x1xf32> to vector<1024x512xf32>
    %sub3A_539 = arith.subf %dot_general3A_530, %sub3A_538 : vector<1024x512xf32>
    %argmax3A_540 = tpu.reduce_index %sub3A_539 {axis = 0 : i32, kind = #tpu.reduction_kind<arg_max>} : vector<1024x512xf32> -> vector<512xi32>
    %add3A_541 = arith.constant 23552 : i32
    %add3A_542 = vector.broadcast %add3A_541 : i32 to vector<512xi32>
    %add3A_543 = arith.addi %argmax3A_540, %add3A_542 : vector<512xi32>
    %get3A_544 = arith.constant 0 : index
    %get3A_545 = arith.constant 768 : index
    %get3A_546 = vector.load %arg1[%get3A_544, %get3A_545] : memref<512x1024xf32, #tpu.memory_space<vmem>>, vector<512x32xf32>
    %get3A_547 = arith.constant 24 : index
    %get3A_548 = arith.constant 0 : index
    %get3A_549 = arith.constant 0 : index
    %get3A_550 = vector.load %arg2[%get3A_547, %get3A_548, %get3A_549] : memref<32x1024x32xf32, #tpu.memory_space<vmem>>, vector<1x1024x32xf32>
    %get3A_551 = vector.shape_cast %get3A_550 : vector<1x1024x32xf32> to vector<1024x32xf32>
    %dot_general3A_552 = arith.constant dense<0.000000e+00> : vector<1024x512xf32>
    %dot_general3A_553 = tpu.matmul %get3A_551, %get3A_546, %dot_general3A_552 {dimension_numbers = #tpu.dot_dimension_numbers<[1], [1], [0], [0], [0, 0, 1, 0], [], []>, transpose_lhs_hint = false} : vector<1024x32xf32>, vector<512x32xf32>, vector<1024x512xf32> -> vector<1024x512xf32>
    %mul3A_554 = arith.mulf %get3A_551, %get3A_551 : vector<1024x32xf32>
    %reduce_sum3A_555 = arith.constant dense<0.000000e+00> : vector<1024xf32>
    %reduce_sum3A_556 = vector.multi_reduction <add>, %mul3A_554, %reduce_sum3A_555 [1] : vector<1024x32xf32> to vector<1024xf32>
    %broadcast_in_dim3A_557 = vector.shape_cast %reduce_sum3A_556 : vector<1024xf32> to vector<1024x1xf32>
    %mul3A_558 = arith.constant 5.000000e-01 : f32
    %mul3A_559 = vector.broadcast %mul3A_558 : f32 to vector<1024x1xf32>
    %mul3A_560 = arith.mulf %mul3A_559, %broadcast_in_dim3A_557 : vector<1024x1xf32>
    %sub3A_561 = vector.broadcast %mul3A_560 : vector<1024x1xf32> to vector<1024x512xf32>
    %sub3A_562 = arith.subf %dot_general3A_553, %sub3A_561 : vector<1024x512xf32>
    %argmax3A_563 = tpu.reduce_index %sub3A_562 {axis = 0 : i32, kind = #tpu.reduction_kind<arg_max>} : vector<1024x512xf32> -> vector<512xi32>
    %add3A_564 = arith.constant 24576 : i32
    %add3A_565 = vector.broadcast %add3A_564 : i32 to vector<512xi32>
    %add3A_566 = arith.addi %argmax3A_563, %add3A_565 : vector<512xi32>
    %get3A_567 = arith.constant 0 : index
    %get3A_568 = arith.constant 800 : index
    %get3A_569 = vector.load %arg1[%get3A_567, %get3A_568] : memref<512x1024xf32, #tpu.memory_space<vmem>>, vector<512x32xf32>
    %get3A_570 = arith.constant 25 : index
    %get3A_571 = arith.constant 0 : index
    %get3A_572 = arith.constant 0 : index
    %get3A_573 = vector.load %arg2[%get3A_570, %get3A_571, %get3A_572] : memref<32x1024x32xf32, #tpu.memory_space<vmem>>, vector<1x1024x32xf32>
    %get3A_574 = vector.shape_cast %get3A_573 : vector<1x1024x32xf32> to vector<1024x32xf32>
    %dot_general3A_575 = arith.constant dense<0.000000e+00> : vector<1024x512xf32>
    %dot_general3A_576 = tpu.matmul %get3A_574, %get3A_569, %dot_general3A_575 {dimension_numbers = #tpu.dot_dimension_numbers<[1], [1], [0], [0], [0, 0, 1, 0], [], []>, transpose_lhs_hint = false} : vector<1024x32xf32>, vector<512x32xf32>, vector<1024x512xf32> -> vector<1024x512xf32>
    %mul3A_577 = arith.mulf %get3A_574, %get3A_574 : vector<1024x32xf32>
    %reduce_sum3A_578 = arith.constant dense<0.000000e+00> : vector<1024xf32>
    %reduce_sum3A_579 = vector.multi_reduction <add>, %mul3A_577, %reduce_sum3A_578 [1] : vector<1024x32xf32> to vector<1024xf32>
    %broadcast_in_dim3A_580 = vector.shape_cast %reduce_sum3A_579 : vector<1024xf32> to vector<1024x1xf32>
    %mul3A_581 = arith.constant 5.000000e-01 : f32
    %mul3A_582 = vector.broadcast %mul3A_581 : f32 to vector<1024x1xf32>
    %mul3A_583 = arith.mulf %mul3A_582, %broadcast_in_dim3A_580 : vector<1024x1xf32>
    %sub3A_584 = vector.broadcast %mul3A_583 : vector<1024x1xf32> to vector<1024x512xf32>
    %sub3A_585 = arith.subf %dot_general3A_576, %sub3A_584 : vector<1024x512xf32>
    %argmax3A_586 = tpu.reduce_index %sub3A_585 {axis = 0 : i32, kind = #tpu.reduction_kind<arg_max>} : vector<1024x512xf32> -> vector<512xi32>
    %add3A_587 = arith.constant 25600 : i32
    %add3A_588 = vector.broadcast %add3A_587 : i32 to vector<512xi32>
    %add3A_589 = arith.addi %argmax3A_586, %add3A_588 : vector<512xi32>
    %get3A_590 = arith.constant 0 : index
    %get3A_591 = arith.constant 832 : index
    %get3A_592 = vector.load %arg1[%get3A_590, %get3A_591] : memref<512x1024xf32, #tpu.memory_space<vmem>>, vector<512x32xf32>
    %get3A_593 = arith.constant 26 : index
    %get3A_594 = arith.constant 0 : index
    %get3A_595 = arith.constant 0 : index
    %get3A_596 = vector.load %arg2[%get3A_593, %get3A_594, %get3A_595] : memref<32x1024x32xf32, #tpu.memory_space<vmem>>, vector<1x1024x32xf32>
    %get3A_597 = vector.shape_cast %get3A_596 : vector<1x1024x32xf32> to vector<1024x32xf32>
    %dot_general3A_598 = arith.constant dense<0.000000e+00> : vector<1024x512xf32>
    %dot_general3A_599 = tpu.matmul %get3A_597, %get3A_592, %dot_general3A_598 {dimension_numbers = #tpu.dot_dimension_numbers<[1], [1], [0], [0], [0, 0, 1, 0], [], []>, transpose_lhs_hint = false} : vector<1024x32xf32>, vector<512x32xf32>, vector<1024x512xf32> -> vector<1024x512xf32>
    %mul3A_600 = arith.mulf %get3A_597, %get3A_597 : vector<1024x32xf32>
    %reduce_sum3A_601 = arith.constant dense<0.000000e+00> : vector<1024xf32>
    %reduce_sum3A_602 = vector.multi_reduction <add>, %mul3A_600, %reduce_sum3A_601 [1] : vector<1024x32xf32> to vector<1024xf32>
    %broadcast_in_dim3A_603 = vector.shape_cast %reduce_sum3A_602 : vector<1024xf32> to vector<1024x1xf32>
    %mul3A_604 = arith.constant 5.000000e-01 : f32
    %mul3A_605 = vector.broadcast %mul3A_604 : f32 to vector<1024x1xf32>
    %mul3A_606 = arith.mulf %mul3A_605, %broadcast_in_dim3A_603 : vector<1024x1xf32>
    %sub3A_607 = vector.broadcast %mul3A_606 : vector<1024x1xf32> to vector<1024x512xf32>
    %sub3A_608 = arith.subf %dot_general3A_599, %sub3A_607 : vector<1024x512xf32>
    %argmax3A_609 = tpu.reduce_index %sub3A_608 {axis = 0 : i32, kind = #tpu.reduction_kind<arg_max>} : vector<1024x512xf32> -> vector<512xi32>
    %add3A_610 = arith.constant 26624 : i32
    %add3A_611 = vector.broadcast %add3A_610 : i32 to vector<512xi32>
    %add3A_612 = arith.addi %argmax3A_609, %add3A_611 : vector<512xi32>
    %get3A_613 = arith.constant 0 : index
    %get3A_614 = arith.constant 864 : index
    %get3A_615 = vector.load %arg1[%get3A_613, %get3A_614] : memref<512x1024xf32, #tpu.memory_space<vmem>>, vector<512x32xf32>
    %get3A_616 = arith.constant 27 : index
    %get3A_617 = arith.constant 0 : index
    %get3A_618 = arith.constant 0 : index
    %get3A_619 = vector.load %arg2[%get3A_616, %get3A_617, %get3A_618] : memref<32x1024x32xf32, #tpu.memory_space<vmem>>, vector<1x1024x32xf32>
    %get3A_620 = vector.shape_cast %get3A_619 : vector<1x1024x32xf32> to vector<1024x32xf32>
    %dot_general3A_621 = arith.constant dense<0.000000e+00> : vector<1024x512xf32>
    %dot_general3A_622 = tpu.matmul %get3A_620, %get3A_615, %dot_general3A_621 {dimension_numbers = #tpu.dot_dimension_numbers<[1], [1], [0], [0], [0, 0, 1, 0], [], []>, transpose_lhs_hint = false} : vector<1024x32xf32>, vector<512x32xf32>, vector<1024x512xf32> -> vector<1024x512xf32>
    %mul3A_623 = arith.mulf %get3A_620, %get3A_620 : vector<1024x32xf32>
    %reduce_sum3A_624 = arith.constant dense<0.000000e+00> : vector<1024xf32>
    %reduce_sum3A_625 = vector.multi_reduction <add>, %mul3A_623, %reduce_sum3A_624 [1] : vector<1024x32xf32> to vector<1024xf32>
    %broadcast_in_dim3A_626 = vector.shape_cast %reduce_sum3A_625 : vector<1024xf32> to vector<1024x1xf32>
    %mul3A_627 = arith.constant 5.000000e-01 : f32
    %mul3A_628 = vector.broadcast %mul3A_627 : f32 to vector<1024x1xf32>
    %mul3A_629 = arith.mulf %mul3A_628, %broadcast_in_dim3A_626 : vector<1024x1xf32>
    %sub3A_630 = vector.broadcast %mul3A_629 : vector<1024x1xf32> to vector<1024x512xf32>
    %sub3A_631 = arith.subf %dot_general3A_622, %sub3A_630 : vector<1024x512xf32>
    %argmax3A_632 = tpu.reduce_index %sub3A_631 {axis = 0 : i32, kind = #tpu.reduction_kind<arg_max>} : vector<1024x512xf32> -> vector<512xi32>
    %add3A_633 = arith.constant 27648 : i32
    %add3A_634 = vector.broadcast %add3A_633 : i32 to vector<512xi32>
    %add3A_635 = arith.addi %argmax3A_632, %add3A_634 : vector<512xi32>
    %get3A_636 = arith.constant 0 : index
    %get3A_637 = arith.constant 896 : index
    %get3A_638 = vector.load %arg1[%get3A_636, %get3A_637] : memref<512x1024xf32, #tpu.memory_space<vmem>>, vector<512x32xf32>
    %get3A_639 = arith.constant 28 : index
    %get3A_640 = arith.constant 0 : index
    %get3A_641 = arith.constant 0 : index
    %get3A_642 = vector.load %arg2[%get3A_639, %get3A_640, %get3A_641] : memref<32x1024x32xf32, #tpu.memory_space<vmem>>, vector<1x1024x32xf32>
    %get3A_643 = vector.shape_cast %get3A_642 : vector<1x1024x32xf32> to vector<1024x32xf32>
    %dot_general3A_644 = arith.constant dense<0.000000e+00> : vector<1024x512xf32>
    %dot_general3A_645 = tpu.matmul %get3A_643, %get3A_638, %dot_general3A_644 {dimension_numbers = #tpu.dot_dimension_numbers<[1], [1], [0], [0], [0, 0, 1, 0], [], []>, transpose_lhs_hint = false} : vector<1024x32xf32>, vector<512x32xf32>, vector<1024x512xf32> -> vector<1024x512xf32>
    %mul3A_646 = arith.mulf %get3A_643, %get3A_643 : vector<1024x32xf32>
    %reduce_sum3A_647 = arith.constant dense<0.000000e+00> : vector<1024xf32>
    %reduce_sum3A_648 = vector.multi_reduction <add>, %mul3A_646, %reduce_sum3A_647 [1] : vector<1024x32xf32> to vector<1024xf32>
    %broadcast_in_dim3A_649 = vector.shape_cast %reduce_sum3A_648 : vector<1024xf32> to vector<1024x1xf32>
    %mul3A_650 = arith.constant 5.000000e-01 : f32
    %mul3A_651 = vector.broadcast %mul3A_650 : f32 to vector<1024x1xf32>
    %mul3A_652 = arith.mulf %mul3A_651, %broadcast_in_dim3A_649 : vector<1024x1xf32>
    %sub3A_653 = vector.broadcast %mul3A_652 : vector<1024x1xf32> to vector<1024x512xf32>
    %sub3A_654 = arith.subf %dot_general3A_645, %sub3A_653 : vector<1024x512xf32>
    %argmax3A_655 = tpu.reduce_index %sub3A_654 {axis = 0 : i32, kind = #tpu.reduction_kind<arg_max>} : vector<1024x512xf32> -> vector<512xi32>
    %add3A_656 = arith.constant 28672 : i32
    %add3A_657 = vector.broadcast %add3A_656 : i32 to vector<512xi32>
    %add3A_658 = arith.addi %argmax3A_655, %add3A_657 : vector<512xi32>
    %get3A_659 = arith.constant 0 : index
    %get3A_660 = arith.constant 928 : index
    %get3A_661 = vector.load %arg1[%get3A_659, %get3A_660] : memref<512x1024xf32, #tpu.memory_space<vmem>>, vector<512x32xf32>
    %get3A_662 = arith.constant 29 : index
    %get3A_663 = arith.constant 0 : index
    %get3A_664 = arith.constant 0 : index
    %get3A_665 = vector.load %arg2[%get3A_662, %get3A_663, %get3A_664] : memref<32x1024x32xf32, #tpu.memory_space<vmem>>, vector<1x1024x32xf32>
    %get3A_666 = vector.shape_cast %get3A_665 : vector<1x1024x32xf32> to vector<1024x32xf32>
    %dot_general3A_667 = arith.constant dense<0.000000e+00> : vector<1024x512xf32>
    %dot_general3A_668 = tpu.matmul %get3A_666, %get3A_661, %dot_general3A_667 {dimension_numbers = #tpu.dot_dimension_numbers<[1], [1], [0], [0], [0, 0, 1, 0], [], []>, transpose_lhs_hint = false} : vector<1024x32xf32>, vector<512x32xf32>, vector<1024x512xf32> -> vector<1024x512xf32>
    %mul3A_669 = arith.mulf %get3A_666, %get3A_666 : vector<1024x32xf32>
    %reduce_sum3A_670 = arith.constant dense<0.000000e+00> : vector<1024xf32>
    %reduce_sum3A_671 = vector.multi_reduction <add>, %mul3A_669, %reduce_sum3A_670 [1] : vector<1024x32xf32> to vector<1024xf32>
    %broadcast_in_dim3A_672 = vector.shape_cast %reduce_sum3A_671 : vector<1024xf32> to vector<1024x1xf32>
    %mul3A_673 = arith.constant 5.000000e-01 : f32
    %mul3A_674 = vector.broadcast %mul3A_673 : f32 to vector<1024x1xf32>
    %mul3A_675 = arith.mulf %mul3A_674, %broadcast_in_dim3A_672 : vector<1024x1xf32>
    %sub3A_676 = vector.broadcast %mul3A_675 : vector<1024x1xf32> to vector<1024x512xf32>
    %sub3A_677 = arith.subf %dot_general3A_668, %sub3A_676 : vector<1024x512xf32>
    %argmax3A_678 = tpu.reduce_index %sub3A_677 {axis = 0 : i32, kind = #tpu.reduction_kind<arg_max>} : vector<1024x512xf32> -> vector<512xi32>
    %add3A_679 = arith.constant 29696 : i32
    %add3A_680 = vector.broadcast %add3A_679 : i32 to vector<512xi32>
    %add3A_681 = arith.addi %argmax3A_678, %add3A_680 : vector<512xi32>
    %get3A_682 = arith.constant 0 : index
    %get3A_683 = arith.constant 960 : index
    %get3A_684 = vector.load %arg1[%get3A_682, %get3A_683] : memref<512x1024xf32, #tpu.memory_space<vmem>>, vector<512x32xf32>
    %get3A_685 = arith.constant 30 : index
    %get3A_686 = arith.constant 0 : index
    %get3A_687 = arith.constant 0 : index
    %get3A_688 = vector.load %arg2[%get3A_685, %get3A_686, %get3A_687] : memref<32x1024x32xf32, #tpu.memory_space<vmem>>, vector<1x1024x32xf32>
    %get3A_689 = vector.shape_cast %get3A_688 : vector<1x1024x32xf32> to vector<1024x32xf32>
    %dot_general3A_690 = arith.constant dense<0.000000e+00> : vector<1024x512xf32>
    %dot_general3A_691 = tpu.matmul %get3A_689, %get3A_684, %dot_general3A_690 {dimension_numbers = #tpu.dot_dimension_numbers<[1], [1], [0], [0], [0, 0, 1, 0], [], []>, transpose_lhs_hint = false} : vector<1024x32xf32>, vector<512x32xf32>, vector<1024x512xf32> -> vector<1024x512xf32>
    %mul3A_692 = arith.mulf %get3A_689, %get3A_689 : vector<1024x32xf32>
    %reduce_sum3A_693 = arith.constant dense<0.000000e+00> : vector<1024xf32>
    %reduce_sum3A_694 = vector.multi_reduction <add>, %mul3A_692, %reduce_sum3A_693 [1] : vector<1024x32xf32> to vector<1024xf32>
    %broadcast_in_dim3A_695 = vector.shape_cast %reduce_sum3A_694 : vector<1024xf32> to vector<1024x1xf32>
    %mul3A_696 = arith.constant 5.000000e-01 : f32
    %mul3A_697 = vector.broadcast %mul3A_696 : f32 to vector<1024x1xf32>
    %mul3A_698 = arith.mulf %mul3A_697, %broadcast_in_dim3A_695 : vector<1024x1xf32>
    %sub3A_699 = vector.broadcast %mul3A_698 : vector<1024x1xf32> to vector<1024x512xf32>
    %sub3A_700 = arith.subf %dot_general3A_691, %sub3A_699 : vector<1024x512xf32>
    %argmax3A_701 = tpu.reduce_index %sub3A_700 {axis = 0 : i32, kind = #tpu.reduction_kind<arg_max>} : vector<1024x512xf32> -> vector<512xi32>
    %add3A_702 = arith.constant 30720 : i32
    %add3A_703 = vector.broadcast %add3A_702 : i32 to vector<512xi32>
    %add3A_704 = arith.addi %argmax3A_701, %add3A_703 : vector<512xi32>
    %get3A_705 = arith.constant 0 : index
    %get3A_706 = arith.constant 992 : index
    %get3A_707 = vector.load %arg1[%get3A_705, %get3A_706] : memref<512x1024xf32, #tpu.memory_space<vmem>>, vector<512x32xf32>
    %get3A_708 = arith.constant 31 : index
    %get3A_709 = arith.constant 0 : index
    %get3A_710 = arith.constant 0 : index
    %get3A_711 = vector.load %arg2[%get3A_708, %get3A_709, %get3A_710] : memref<32x1024x32xf32, #tpu.memory_space<vmem>>, vector<1x1024x32xf32>
    %get3A_712 = vector.shape_cast %get3A_711 : vector<1x1024x32xf32> to vector<1024x32xf32>
    %dot_general3A_713 = arith.constant dense<0.000000e+00> : vector<1024x512xf32>
    %dot_general3A_714 = tpu.matmul %get3A_712, %get3A_707, %dot_general3A_713 {dimension_numbers = #tpu.dot_dimension_numbers<[1], [1], [0], [0], [0, 0, 1, 0], [], []>, transpose_lhs_hint = false} : vector<1024x32xf32>, vector<512x32xf32>, vector<1024x512xf32> -> vector<1024x512xf32>
    %mul3A_715 = arith.mulf %get3A_712, %get3A_712 : vector<1024x32xf32>
    %reduce_sum3A_716 = arith.constant dense<0.000000e+00> : vector<1024xf32>
    %reduce_sum3A_717 = vector.multi_reduction <add>, %mul3A_715, %reduce_sum3A_716 [1] : vector<1024x32xf32> to vector<1024xf32>
    %broadcast_in_dim3A_718 = vector.shape_cast %reduce_sum3A_717 : vector<1024xf32> to vector<1024x1xf32>
    %mul3A_719 = arith.constant 5.000000e-01 : f32
    %mul3A_720 = vector.broadcast %mul3A_719 : f32 to vector<1024x1xf32>
    %mul3A_721 = arith.mulf %mul3A_720, %broadcast_in_dim3A_718 : vector<1024x1xf32>
    %sub3A_722 = vector.broadcast %mul3A_721 : vector<1024x1xf32> to vector<1024x512xf32>
    %sub3A_723 = arith.subf %dot_general3A_714, %sub3A_722 : vector<1024x512xf32>
    %argmax3A_724 = tpu.reduce_index %sub3A_723 {axis = 0 : i32, kind = #tpu.reduction_kind<arg_max>} : vector<1024x512xf32> -> vector<512xi32>
    %add3A_725 = arith.constant 31744 : i32
    %add3A_726 = vector.broadcast %add3A_725 : i32 to vector<512xi32>
    %add3A_727 = arith.addi %argmax3A_724, %add3A_726 : vector<512xi32>
    %stack3A = vector.shape_cast %add3A_14 : vector<512xi32> to vector<512x1xi32>
    %stack3A_728 = vector.shape_cast %add3A_37 : vector<512xi32> to vector<512x1xi32>
    %stack3A_729 = vector.shape_cast %add3A_60 : vector<512xi32> to vector<512x1xi32>
    %stack3A_730 = vector.shape_cast %add3A_83 : vector<512xi32> to vector<512x1xi32>
    %stack3A_731 = vector.shape_cast %add3A_106 : vector<512xi32> to vector<512x1xi32>
    %stack3A_732 = vector.shape_cast %add3A_129 : vector<512xi32> to vector<512x1xi32>
    %stack3A_733 = vector.shape_cast %add3A_152 : vector<512xi32> to vector<512x1xi32>
    %stack3A_734 = vector.shape_cast %add3A_175 : vector<512xi32> to vector<512x1xi32>
    %stack3A_735 = vector.shape_cast %add3A_198 : vector<512xi32> to vector<512x1xi32>
    %stack3A_736 = vector.shape_cast %add3A_221 : vector<512xi32> to vector<512x1xi32>
    %stack3A_737 = vector.shape_cast %add3A_244 : vector<512xi32> to vector<512x1xi32>
    %stack3A_738 = vector.shape_cast %add3A_267 : vector<512xi32> to vector<512x1xi32>
    %stack3A_739 = vector.shape_cast %add3A_290 : vector<512xi32> to vector<512x1xi32>
    %stack3A_740 = vector.shape_cast %add3A_313 : vector<512xi32> to vector<512x1xi32>
    %stack3A_741 = vector.shape_cast %add3A_336 : vector<512xi32> to vector<512x1xi32>
    %stack3A_742 = vector.shape_cast %add3A_359 : vector<512xi32> to vector<512x1xi32>
    %stack3A_743 = vector.shape_cast %add3A_382 : vector<512xi32> to vector<512x1xi32>
    %stack3A_744 = vector.shape_cast %add3A_405 : vector<512xi32> to vector<512x1xi32>
    %stack3A_745 = vector.shape_cast %add3A_428 : vector<512xi32> to vector<512x1xi32>
    %stack3A_746 = vector.shape_cast %add3A_451 : vector<512xi32> to vector<512x1xi32>
    %stack3A_747 = vector.shape_cast %add3A_474 : vector<512xi32> to vector<512x1xi32>
    %stack3A_748 = vector.shape_cast %add3A_497 : vector<512xi32> to vector<512x1xi32>
    %stack3A_749 = vector.shape_cast %add3A_520 : vector<512xi32> to vector<512x1xi32>
    %stack3A_750 = vector.shape_cast %add3A_543 : vector<512xi32> to vector<512x1xi32>
    %stack3A_751 = vector.shape_cast %add3A_566 : vector<512xi32> to vector<512x1xi32>
    %stack3A_752 = vector.shape_cast %add3A_589 : vector<512xi32> to vector<512x1xi32>
    %stack3A_753 = vector.shape_cast %add3A_612 : vector<512xi32> to vector<512x1xi32>
    %stack3A_754 = vector.shape_cast %add3A_635 : vector<512xi32> to vector<512x1xi32>
    %stack3A_755 = vector.shape_cast %add3A_658 : vector<512xi32> to vector<512x1xi32>
    %stack3A_756 = vector.shape_cast %add3A_681 : vector<512xi32> to vector<512x1xi32>
    %stack3A_757 = vector.shape_cast %add3A_704 : vector<512xi32> to vector<512x1xi32>
    %stack3A_758 = vector.shape_cast %add3A_727 : vector<512xi32> to vector<512x1xi32>
    %stack3A_759 = tpu.concatenate %stack3A, %stack3A_728, %stack3A_729, %stack3A_730, %stack3A_731, %stack3A_732, %stack3A_733, %stack3A_734, %stack3A_735, %stack3A_736, %stack3A_737, %stack3A_738, %stack3A_739, %stack3A_740, %stack3A_741, %stack3A_742, %stack3A_743, %stack3A_744, %stack3A_745, %stack3A_746, %stack3A_747, %stack3A_748, %stack3A_749, %stack3A_750, %stack3A_751, %stack3A_752, %stack3A_753, %stack3A_754, %stack3A_755, %stack3A_756, %stack3A_757, %stack3A_758 in 1 : vector<512x1xi32>, vector<512x1xi32>, vector<512x1xi32>, vector<512x1xi32>, vector<512x1xi32>, vector<512x1xi32>, vector<512x1xi32>, vector<512x1xi32>, vector<512x1xi32>, vector<512x1xi32>, vector<512x1xi32>, vector<512x1xi32>, vector<512x1xi32>, vector<512x1xi32>, vector<512x1xi32>, vector<512x1xi32>, vector<512x1xi32>, vector<512x1xi32>, vector<512x1xi32>, vector<512x1xi32>, vector<512x1xi32>, vector<512x1xi32>, vector<512x1xi32>, vector<512x1xi32>, vector<512x1xi32>, vector<512x1xi32>, vector<512x1xi32>, vector<512x1xi32>, vector<512x1xi32>, vector<512x1xi32>, vector<512x1xi32>, vector<512x1xi32> -> vector<512x32xi32>
    %swap3A = arith.constant 0 : index
    %swap3A_760 = arith.constant 0 : index
    %swap3A_761 = vector.load %arg3[%swap3A, %swap3A_760] : memref<512x32xi32, #tpu.memory_space<vmem>>, vector<512x32xi32>
    tpu.vector_store %arg3[%swap3A, %swap3A_760], %stack3A_759 {strides = array<i32>} : memref<512x32xi32, #tpu.memory_space<vmem>>, vector<512x32xi32>,
    return
  }
  func.func @transform_0(%arg0: i32) -> (i32, i32) {
    %c0_i32 = arith.constant 0 : i32
    %c0_i32_0 = arith.constant 0 : i32
    return %arg0, %c0_i32 : i32, i32
  }
  func.func @transform_1(%arg0: i32) -> (i32, i32, i32) {
    %c0_i32 = arith.constant 0 : i32
    %c0_i32_0 = arith.constant 0 : i32
    %c0_i32_1 = arith.constant 0 : i32
    %c0_i32_2 = arith.constant 0 : i32
    return %c0_i32, %c0_i32_0, %c0_i32_1 : i32, i32, i32
  }
  func.func @transform_2(%arg0: i32) -> (i32, i32) {
    %c0_i32 = arith.constant 0 : i32
    %c0_i32_0 = arith.constant 0 : i32
    return %arg0, %c0_i32 : i32, i32
  }
}

</mosaic_0001>

<sc_bundles>
// kernel: kernel.4.cloned.1.call-start
scs
__scs_entry_jumppad:
0x0: {  	(pc) =	sbr.rel $0x88, $3  }
0x1: {  	(tag) =	ssettag $0x0;
	lr =	simm.s32 $0x1  }
0x2: {  	[smem:$0x3F9F] =	sst lr;
	_ =	strace $0xD0000000  }
0x3: {  	_ = 	snop  }
0x4: {  	_ = 	snop  }
0x5: {  	_ = 	snop  }
0x6: {  	_ = 	snop  }
0x7: {  	_ = 	snop  }
__scs_overlays_trampoline_lowered:
0x8: {  	[smem:$0x3FAE] =	sst s0  }
0x9: {  	[smem:$0x3FAF] =	sst s1  }
0xa: {  	[smem:$0x3FB0] =	sst s2  }
0xb: {  	[smem:$0x3FB1] =	sst s3  }
0xc: {  	[smem:$0x3FB2] =	sst s4  }
0xd: {  	[smem:$0x3FB3] =	sst s5  }
0xe: {  	[smem:$0x3FB4] =	sst s6  }
0xf: {  	[smem:$0x3FB5] =	sst s7  }
0x10: {  	[smem:$0x3FB6] =	sst s8  }
0x11: {  	[smem:$0x3FB7] =	sst s9;
	s0 =	simm.s32 @!p0 $0x0  }
0x12: {  	s1 =	sld [smem:$0x3F9D];
	s0 =	simm.s32 @p0 $0x1  }
0x13: {  	[smem:$0x3FB8] =	sst s0;
	s0 =	simm.s32 @!p1 $0x0  }
0x14: {  	s2 =	sld [smem:$0x3F9C];
	s0 =	simm.s32 @p1 $0x1  }
0x15: {  	[smem:$0x3FB9] =	sst s0;
	s0 =	simm.s32 @!p2 $0x0  }
0x16: {  	s3 =	sld [smem:$0x3FDB];
	s0 =	simm.s32 @p2 $0x1  }
0x17: {  	s4 =	simm.s32 $0x1BF5;
	[smem:$0x3FBB] =	sst s0  }
0x18: {  	s0 =	sld [smem:$0x3F9E];
	_ =	swait.ge [sflag:s4], $0x0  }
0x19: {  	s7 =	sld [smem:$0x3F9F]  }
0x1a: {  	s8 =	sadd.s32 $0xFFFFE003, lr  }
0x1b: {  	s9 =	sadd.s32 $0xFFFFFEF7, lr;
	s5 =	simm.s32 $0xFFFFFFFF;
	p2 =	slt.u32 s8, $0xFFFFF086  }
0x1c: {  	p1 =	slt.u32 s9, $0xF7A;
	s5 =	simm.s32 @!p2 $0x0  }
0x1d: {  	s5 =	simm.s32 @p1 $0x1;
	p0 =	seq.s32 s7, s2  }
0x1e: {  	s7 =	smul.u32 @!p0 $0xF7A, s2;
	p2 =	seq.s32 @!p0 s5, $0x0  }
0x1f: {  	s9 =	smul.u32 $0xF7A, s1;
	s8 =	simm.s32 @!p0 $0x1BF5;
	p2 =	por !p2, p0  }
0x20: {  	[sflag:s8] =	ssyncset.s32 @!p0 $0xFFFFF086;
	s6 =	sadd.s32 @!p0 s3, s7;
	s7 =	simm.s32 @!p0 $0x108  }
0x21: {  	s3 =	sadd.s32 s3, s9;
	s6 =	sadd.s32 @!p0 $0x88, s6;
	s7 =	simm.s32 @p2 $0x1082  }
0x22: {  	[simem:s7], [sflag:s8] =	dma.local @!p0 [hbm:s6], $0xF7A  }
0x23: {  	s9 =	sor.u32 $0xD0000000, s2;
	s6 =	simm.s32 $0x108;
	_ =	swait.ge @!p0 [sflag:s8], $0x0  }
0x24: {  	s3 =	sadd.s32 $0x88, s3;
	s6 =	simm.s32 @!p1 $0x1082;
	[sflag:s4] =	ssyncset.s32 $0xFFFFF086  }
0x25: {  	[simem:s6], [sflag:s4] =	dma.local [hbm:s3], $0xF7A  }
0x26: {  	[smem:$0x3F9F] =	sst s1;
	(tag) =	ssettag s2;
	_ =	strace s9  }
0x27: {  	s1 =	sld [smem:$0x3FAF]  }
0x28: {  	s2 =	sld [smem:$0x3FB0]  }
0x29: {  	s4 =	sld [smem:$0x3FB2]  }
0x2a: {  	p0 =	seq.s32 s5, $0x0;
	s5 =	sld [smem:$0x3FB3]  }
0x2b: {  	s6 =	sld [smem:$0x3FB4]  }
0x2c: {  	s7 =	sld [smem:$0x3FB5]  }
0x2d: {  	s3 =	simm.s32 $0x108;
	s8 =	sld [smem:$0x3FB6]  }
0x2e: {  	s3 =	simm.s32 @!p0 $0x1082;
	s9 =	sld [smem:$0x3FB7]  }
0x2f: {  	lr =	sadd.s32 s0, s3;
	s0 =	sld [smem:$0x3FAE]  }
0x30: {  	s3 =	sld [smem:$0x3FB1]  }
0x31: {  	[smem:$0x3FBA] =	sst s10  }
0x32: {  	s10 =	sld [smem:$0x3FB8];
	_ =	sdelay $0x3  }
0x33: {  	p0 =	seq.s32 s10, $0x1;
	s10 =	sld [smem:$0x3FBA];
	_ =	sdelay $0x3  }
0x34: {  	[smem:$0x3FBA] =	sst s10  }
0x35: {  	s10 =	sld [smem:$0x3FB9];
	_ =	sdelay $0x3  }
0x36: {  	p1 =	seq.s32 s10, $0x1;
	s10 =	sld [smem:$0x3FBA];
	_ =	sdelay $0x3  }
0x37: {  	[smem:$0x3FBA] =	sst s10  }
0x38: {  	s10 =	sld [smem:$0x3FBB]  }
0x39: {  	_ = 	snop;
	(pc) =	sbr.ind lr, $3  }
0x3a: {  	_ = 	snop  }
0x3b: {  	_ = 	snop  }
0x3c: {  	p2 =	seq.s32 s10, $0x1;
	s10 =	sld [smem:$0x3FBA]  }
0x3d: {  	_ =	shalt  }
0x3e: {  	_ =	shalt  }
0x3f: {  	_ =	shalt  }
0x40: {  	_ =	shalt  }
0x41: {  	_ =	shalt  }
0x42: {  	_ =	shalt  }
0x43: {  	_ =	shalt  }
0x44: {  	_ =	shalt  }
0x45: {  	_ =	shalt  }
0x46: {  	_ =	shalt  }
0x47: {  	_ =	shalt  }
0x48: {  	_ =	shalt  }
0x49: {  	_ =	shalt  }
0x4a: {  	_ =	shalt  }
0x4b: {  	_ =	shalt  }
0x4c: {  	_ =	shalt  }
0x4d: {  	_ =	shalt  }
0x4e: {  	_ =	shalt  }
0x4f: {  	_ =	shalt  }
0x50: {  	_ =	shalt  }
0x51: {  	_ =	shalt  }
0x52: {  	_ =	shalt  }
0x53: {  	_ =	shalt  }
0x54: {  	_ =	shalt  }
0x55: {  	_ =	shalt  }
0x56: {  	_ =	shalt  }
0x57: {  	_ =	shalt  }
0x58: {  	_ =	shalt  }
0x59: {  	_ =	shalt  }
0x5a: {  	_ =	shalt  }
0x5b: {  	_ =	shalt  }
0x5c: {  	_ =	shalt  }
0x5d: {  	_ =	shalt  }
0x5e: {  	_ =	shalt  }
0x5f: {  	_ =	shalt  }
0x60: {  	_ =	shalt  }
0x61: {  	_ =	shalt  }
0x62: {  	_ =	shalt  }
0x63: {  	_ =	shalt  }
0x64: {  	_ =	shalt  }
0x65: {  	_ =	shalt  }
0x66: {  	_ =	shalt  }
0x67: {  	_ =	shalt  }
0x68: {  	_ =	shalt  }
0x69: {  	_ =	shalt  }
0x6a: {  	_ =	shalt  }
0x6b: {  	_ =	shalt  }
0x6c: {  	_ =	shalt  }
0x6d: {  	_ =	shalt  }
0x6e: {  	_ =	shalt  }
0x6f: {  	_ =	shalt  }
0x70: {  	_ =	shalt  }
0x71: {  	_ =	shalt  }
0x72: {  	_ =	shalt  }
0x73: {  	_ =	shalt  }
0x74: {  	_ =	shalt  }
0x75: {  	_ =	shalt  }
0x76: {  	_ =	shalt  }
0x77: {  	_ =	shalt  }
0x78: {  	_ =	shalt  }
0x79: {  	_ =	shalt  }
0x7a: {  	_ =	shalt  }
0x7b: {  	_ =	shalt  }
0x7c: {  	_ =	shalt  }
0x7d: {  	_ =	shalt  }
0x7e: {  	_ =	shalt  }
0x7f: {  	_ =	shalt  }
0x80: {  	_ =	shalt  }
0x81: {  	_ =	shalt  }
0x82: {  	_ =	shalt  }
0x83: {  	_ =	shalt  }
0x84: {  	_ =	shalt  }
0x85: {  	_ =	shalt  }
0x86: {  	_ =	shalt  }
0x87: {  	_ =	shalt  }
.Lfunc_end0:
.L_simem_size_0:
called_computation_lowered:
.L_overlay_start_0:
0x88: {  	s2 =	sld [smem:$0x3FD9]  }
0x89: {  	s3 =	sld [smem:$0x3FFE];
	_ =	sdelay $0x1  }
0x8a: {  	s1 =	srdreg.scid  }
0x8b: {  	s0 =	sand.u32 $0x1, s1  }
0x8c: {  	s16 =	sshll.u32 s0, $0xA;
	s2 =	sadd.s32 s3, s2  }
0x8d: {  	s2 =	sadd.s32 s2, s16  }
0x8e: {  	[smem:$0x3FC6] =	sst s2  }
0x8f: {  	_ = 	snop  }
0x90: {  	(tm) =	ssettm $0x1  }
0x91: {  	s17 =	sld [smem:$0x3FFB];
	_ =	sdelay $0x3  }
0x92: {  	_ =	strace s17  }
0x93: {  	s2 =	sld [smem:$0x3FFC];
	_ =	sdelay $0x3  }
0x94: {  	_ =	strace s2  }
0x95: {  	s2 =	sld [smem:$0x3FFD];
	_ =	sdelay $0x3  }
0x96: {  	_ =	strace s2  }
0x97: {  	_ =	strace $0x8FFFFFFF  }
0x98: {  	s18 =	sld [smem:$0x3FDB];
	_ =	sdelay $0x1  }
0x99: {  	s19 =	simm.s32 $_scs_section_size  }
0x9a: {  	s4 =	simm.s32 $_size__tile_overlayer_lowered;
	s5 =	simm.s32 $_tile_overlayer_lowered  }
0x9b: {  	s22 =	simm.s32 $0x1BFF;
	s21 =	sshll.u32 s5, $0x1;
	s2 =	sadd.s32 s19, s18  }
0x9c: {  	s6 =	simm.s32 $0x0;
	s20 =	sshll.u32 s4, $0x1;
	s4 =	sadd.s32 s21, s2  }
0x9d: {  	[timem:s6], [sflag:s22] =	dma.local [hbm:s4], s20  }
0x9e: {  	_ =	swait.ge [sflag:s22], s20  }
0x9f: {  	s3 =	ssub.s32 $0x0, s20;
	[sflag:s22] =	ssyncset.done $0x0  }
0xa0: {  	[sflag:s22] =	ssyncadd.s32 s3;
	_ =	sdelay $0x1  }
0xa1: {  	s23 =	simm.s32 $0x1B8B  }
0xa2: {  	_ =	swait.ge [sflag:s23], $0x1  }
0xa3: {  	[sflag:s23] =	ssyncset.done $0x0  }
0xa4: {  	s25 =	simm.s32 $0x1B8E;
	s24 =	sld [smem:$0x3FFE];
	[sflag:s23] =	ssyncadd.s32 $0xFFFFFFFF  }
0xa5: {  	s26 =	simm.s32 $execute0_lowered;
	[smem:$0x3FD2] =	sst s25  }
0xa6: {  	s4 =	sshll.u32 s26, $0x1;
	_ =	strace $0x80000046;
	[dreg:$0x1] =	wrdreg $0xFFFFFFFF  }
0xa7: {  	s28 =	simm.s32 $_size_execute0_lowered;
	s2 =	sadd.s32 s2, s4;
	[dreg:$0x0] =	wrdreg $0x0  }
0xa8: {  	s4 =	sshll.u32 s28, $0x1;
	[dreg:$0x2] =	wrdreg s2  }
0xa9: {  	[dreg:$0x3] =	wrdreg s4  }
0xaa: {  	[dreg:$0x4] =	wrdreg $0xC0  }
0xab: {  	_ =	task [dreg:s6], $0x5FFFF  }
0xac: {  	[dreg:$0x1] =	wrdreg $0xFFFFFFFF  }
0xad: {  	[dreg:$0x0] =	wrdreg $0x60  }
0xae: {  	[dreg:$0x2] =	wrdreg s24  }
0xaf: {  	[dreg:$0x3] =	wrdreg $0x9  }
0xb0: {  	_ =	task.clear_ibuf [dreg:s6], $0x4FFFF;
	_ =	strace $0x90000046  }
0xb1: {  	s29 =	simm.s32 $0x9;
	_ =	strace $0x80000048  }
0xb2: {  	_ =	swait.ge [sflag:s29], $0x1  }
0xb3: {  	[sflag:s29] =	ssyncadd.s32 $0xFFFFFFFF  }
0xb4: {  	_ =	strace $0x90000048  }
0xb5: {  	_ =	sfence  }
0xb6: {  	s30 =	sld [smem:$0x0];
	_ =	sdelay $0x2  }
0xb7: {  	s31 =	sshll.u32 s1, $0xD;
	s1 =	sshrl.u32 s1, $0x2  }
0xb8: {  	s3 =	sand.u32 $0x4000, s31;
	s1 =	sadd.s32 s1, s30  }
0xb9: {  	s0 =	sor.u32 s3, s0;
	s1 =	sshll.u32 s1, $0x11  }
0xba: {  	s0 =	sor.u32 s1, s0  }
0xbb: {  	s0 =	sadd.s32 $0x8F2B, s0  }
0xbc: {  	[sflag:s0] =	ssyncadd.remote.s32 $0x1  }
0xbd: {  	_ =	sfence.sel $0xFFFF  }
0xbe: {  	[dreg:$0x0] =	wrdreg $0xFFFFFFFF;
	(pc) =	sbr.abs _section_cstart, $3  }
0xbf: {  	[dreg:$0x1] =	wrdreg $0xFFFFFFFF  }
0xc0: {  	_ =	task.clear_ibuf [dreg:s6], $0x2FFFF;
	_ =	strace $0x9FFFFFFF  }
0xc1: {  	(tm) =	ssettm $0x7FFFFFFF  }
tec
execute0_lowered:
.L_overlay_start_1:
0x0: {  	(tag) =	ssettag $0x1  }
0x1: {  	s1 =	srdreg.scid  }
0x2: {  	s0 =	stileid.u32;
	s17 =	sand.u32 $0x1, s1  }
0x3: {  	s11 =	rddreg [dreg:$0x0];
	s3 =	sshll.u32 s0, $0xD;
	s4 =	sshll.u32 s17, $0xC  }
0x4: {  	s2 =	simm.s32 $0x0;
	s1 =	rddreg [dreg:$0x1];
	s15 =	sor.u32 s4, s3  }
0x5: {  	[smem:$0x7FF] =	sst s2;
	s16 =	sadd.s32 $0x600, s11;
	s3 =	sshrl.u32 s15, $0x3  }
0x6: {  	_ =	strace $0x80000047;
	s4 =	sadd.s32 s16, s3;
	s3 =	simm.s32 $0x3  }
0x7: {  	[tilespmem:s2], [sflag:$0x3] =	stream.linear.gather [hbm4b:s4+s2], $0x400, $0x38;
	[tilespmem:$0x10800] =	vst v63  }
0x8: {  	s6 =	simm.s32 $0x400;
	_ =	swait.ge [sflag:s3], $0x400  }
0x9: {  	s7 =	simm.s32 $0x800;
	s14 =	sor.u32 $0x400, s15;
	[sflag:s3] =	ssyncset.done $0x0  }
0xa: {  	s5 =	sadd.s32 $0x4600, s11;
	s8 =	sshrl.u32 s14, $0x3;
	[sflag:s3] =	ssyncadd.s32 $0xFFFFFC00  }
0xb: {  	[tilespmem:s7], [sflag:$0x1] =	stream.indirect.gather [hbm4b:s5+s6], $0x20, s2, s6, $0xb8;
	[tilespmem:$0x10800] =	vst v63  }
0xc: {  	s8 =	sadd.s32 s16, s8  }
0xd: {  	[tilespmem:s6], [sflag:$0x3] =	stream.linear.gather [hbm4b:s8+s2], $0x400, $0x38;
	[tilespmem:$0x10800] =	vst v63  }
0xe: {  	_ =	swait.ge [sflag:s3], $0x400  }
0xf: {  	[sflag:s3] =	ssyncset.done $0x0  }
0x10: {  	s9 =	simm.s32 $0x8800;
	s10 =	simm.s32 $0x1;
	[sflag:s3] =	ssyncadd.s32 $0xFFFFFC00  }
0x11: {  	[tilespmem:s9], [sflag:$0x2] =	stream.indirect.gather [hbm4b:s5+s6], $0x20, s6, s6, $0xb8;
	[tilespmem:$0x10800] =	vst v63  }
0x12: {  	_ =	swait.ge [sflag:s10], $0x8000  }
0x13: {  	s18 =	sadd.s32 $0x24600, s11;
	s26 =	sshll.u32 s15, $0x2;
	[sflag:s10] =	ssyncset.done $0x0  }
0x14: {  	s11 =	sadd.s32 s18, s26;
	[sflag:s10] =	ssyncadd.s32 $0xFFFF8000  }
0x15: {  	[hbm4b:s11+s2] =	stream.linear.scatter [tilespmem:s7], [sflag:$0x3], $0x8000, $0x38;
	[tilespmem:$0x10800] =	vst v63  }
0x16: {  	s19 =	sor.u32 $0x800, s15;
	_ =	swait.ge [sflag:s3], $0x8000  }
0x17: {  	s12 =	sshrl.u32 s19, $0x3;
	[sflag:s3] =	ssyncset.done $0x0  }
0x18: {  	s12 =	sadd.s32 s16, s12;
	[sflag:s3] =	ssyncadd.s32 $0xFFFF8000  }
0x19: {  	[tilespmem:s2], [sflag:$0x3] =	stream.linear.gather [hbm4b:s12+s2], $0x400, $0x38;
	[tilespmem:$0x10800] =	vst v63  }
0x1a: {  	_ =	swait.ge [sflag:s3], $0x400  }
0x1b: {  	[sflag:s3] =	ssyncset.done $0x0  }
0x1c: {  	s13 =	simm.s32 $0x2;
	[sflag:s3] =	ssyncadd.s32 $0xFFFFFC00  }
0x1d: {  	[tilespmem:s7], [sflag:$0x1] =	stream.indirect.gather [hbm4b:s5+s6], $0x20, s2, s6, $0xb8;
	[tilespmem:$0x10800] =	vst v63  }
0x1e: {  	_ =	swait.ge [sflag:s13], $0x8000  }
0x1f: {  	s14 =	sshll.u32 s14, $0x2;
	[sflag:s13] =	ssyncset.done $0x0  }
0x20: {  	s14 =	sadd.s32 s18, s14;
	[sflag:s13] =	ssyncadd.s32 $0xFFFF8000  }
0x21: {  	[hbm4b:s14+s2] =	stream.linear.scatter [tilespmem:s9], [sflag:$0x3], $0x8000, $0x38;
	[tilespmem:$0x10800] =	vst v63  }
0x22: {  	s20 =	sor.u32 $0xC00, s15;
	_ =	swait.ge [sflag:s3], $0x8000  }
0x23: {  	s15 =	sshrl.u32 s20, $0x3;
	[sflag:s3] =	ssyncset.done $0x0  }
0x24: {  	s15 =	sadd.s32 s16, s15;
	[sflag:s3] =	ssyncadd.s32 $0xFFFF8000  }
0x25: {  	[tilespmem:s6], [sflag:$0x3] =	stream.linear.gather [hbm4b:s15+s2], $0x400, $0x38;
	[tilespmem:$0x10800] =	vst v63  }
0x26: {  	_ =	swait.ge [sflag:s3], $0x400  }
0x27: {  	[sflag:s3] =	ssyncset.done $0x0  }
0x28: {  	[sflag:s3] =	ssyncadd.s32 $0xFFFFFC00  }
0x29: {  	[tilespmem:s9], [sflag:$0x2] =	stream.indirect.gather [hbm4b:s5+s6], $0x20, s6, s6, $0xb8;
	[tilespmem:$0x10800] =	vst v63  }
0x2a: {  	_ =	swait.ge [sflag:s10], $0x8000  }
0x2b: {  	s28 =	sshll.u32 s19, $0x2;
	[sflag:s10] =	ssyncset.done $0x0  }
0x2c: {  	s17 =	ssub.s32 $0x2, s17;
	s16 =	sadd.s32 s18, s28;
	[sflag:s10] =	ssyncadd.s32 $0xFFFF8000  }
0x2d: {  	[hbm4b:s16+s2] =	stream.linear.scatter [tilespmem:s7], [sflag:$0x3], $0x8000, $0x38;
	[tilespmem:$0x10800] =	vst v63  }
0x2e: {  	s29 =	sshrl.u32 s17, $0x1;
	_ =	swait.ge [sflag:s3], $0x8000  }
0x2f: {  	s19 =	ssub.s32 s17, s29;
	[sflag:s3] =	ssyncset.done $0x0  }
0x30: {  	s31 =	smax.u32 s19, $0x1;
	[sflag:s3] =	ssyncadd.s32 $0xFFFF8000  }
0x31: {  	p0 =	sne.s32 s31, $0x1;
	_ =	swait.ge [sflag:s13], $0x8000  }
.Ltmp0:
0x32: {  	s30 =	sshll.u32 s20, $0x2;
	[sflag:s13] =	ssyncset.done $0x0;
	(pc) =	sbr.rel @!p0 .LBB2_2-.Ltmp0, $4  }
0x33: {  	s17 =	sadd.s32 s18, s30;
	[sflag:s13] =	ssyncadd.s32 $0xFFFF8000  }
0x34: {  	[hbm4b:s17+s2] =	stream.linear.scatter [tilespmem:s9], [sflag:$0x3], $0x8000, $0x38;
	[tilespmem:$0x10800] =	vst v63  }
0x35: {  	_ =	swait.ge [sflag:s3], $0x8000  }
0x36: {  	s18 =	sadd.s32 $0xFFFFFFFF, s31;
	[sflag:s3] =	ssyncset.done $0x0  }
.LBB2_1:
0x37: {  	p0 =	sne.s32 s18, $0x1;
	s18 =	sadd.s32 $0xFFFFFFFF, s18;
	[sflag:s3] =	ssyncadd.s32 $0xFFFF8000  }
0x38: {  	[tilespmem:s2], [sflag:$0x3] =	stream.linear.gather [hbm4b:s4+s2], $0x400, $0x38;
	[tilespmem:$0x10800] =	vst v63  }
0x39: {  	_ =	swait.ge [sflag:s3], $0x400  }
0x3a: {  	[sflag:s3] =	ssyncset.done $0x0  }
0x3b: {  	[sflag:s3] =	ssyncadd.s32 $0xFFFFFC00  }
0x3c: {  	[tilespmem:s7], [sflag:$0x1] =	stream.indirect.gather [hbm4b:s5+s6], $0x20, s2, s6, $0xb8;
	[tilespmem:$0x10800] =	vst v63  }
0x3d: {  	_ = 	snop  }
0x3e: {  	[tilespmem:s6], [sflag:$0x3] =	stream.linear.gather [hbm4b:s8+s2], $0x400, $0x38;
	[tilespmem:$0x10800] =	vst v63  }
0x3f: {  	_ =	swait.ge [sflag:s3], $0x400  }
0x40: {  	[sflag:s3] =	ssyncset.done $0x0  }
0x41: {  	[sflag:s3] =	ssyncadd.s32 $0xFFFFFC00  }
0x42: {  	[tilespmem:s9], [sflag:$0x2] =	stream.indirect.gather [hbm4b:s5+s6], $0x20, s6, s6, $0xb8;
	[tilespmem:$0x10800] =	vst v63  }
0x43: {  	_ =	swait.ge [sflag:s10], $0x8000  }
0x44: {  	[sflag:s10] =	ssyncset.done $0x0  }
0x45: {  	[sflag:s10] =	ssyncadd.s32 $0xFFFF8000  }
0x46: {  	[hbm4b:s11+s2] =	stream.linear.scatter [tilespmem:s7], [sflag:$0x3], $0x8000, $0x38;
	[tilespmem:$0x10800] =	vst v63  }
0x47: {  	_ =	swait.ge [sflag:s3], $0x8000  }
0x48: {  	[sflag:s3] =	ssyncset.done $0x0  }
0x49: {  	[sflag:s3] =	ssyncadd.s32 $0xFFFF8000  }
0x4a: {  	[tilespmem:s2], [sflag:$0x3] =	stream.linear.gather [hbm4b:s12+s2], $0x400, $0x38;
	[tilespmem:$0x10800] =	vst v63  }
0x4b: {  	_ =	swait.ge [sflag:s3], $0x400  }
0x4c: {  	[sflag:s3] =	ssyncset.done $0x0  }
0x4d: {  	[sflag:s3] =	ssyncadd.s32 $0xFFFFFC00  }
0x4e: {  	[tilespmem:s7], [sflag:$0x1] =	stream.indirect.gather [hbm4b:s5+s6], $0x20, s2, s6, $0xb8;
	[tilespmem:$0x10800] =	vst v63  }
0x4f: {  	_ =	swait.ge [sflag:s13], $0x8000  }
0x50: {  	[sflag:s13] =	ssyncset.done $0x0  }
0x51: {  	[sflag:s13] =	ssyncadd.s32 $0xFFFF8000  }
0x52: {  	[hbm4b:s14+s2] =	stream.linear.scatter [tilespmem:s9], [sflag:$0x3], $0x8000, $0x38;
	[tilespmem:$0x10800] =	vst v63  }
0x53: {  	_ =	swait.ge [sflag:s3], $0x8000  }
0x54: {  	[sflag:s3] =	ssyncset.done $0x0  }
0x55: {  	[sflag:s3] =	ssyncadd.s32 $0xFFFF8000  }
0x56: {  	[tilespmem:s6], [sflag:$0x3] =	stream.linear.gather [hbm4b:s15+s2], $0x400, $0x38;
	[tilespmem:$0x10800] =	vst v63  }
0x57: {  	_ =	swait.ge [sflag:s3], $0x400  }
0x58: {  	[sflag:s3] =	ssyncset.done $0x0  }
0x59: {  	[sflag:s3] =	ssyncadd.s32 $0xFFFFFC00  }
0x5a: {  	[tilespmem:s9], [sflag:$0x2] =	stream.indirect.gather [hbm4b:s5+s6], $0x20, s6, s6, $0xb8;
	[tilespmem:$0x10800] =	vst v63  }
0x5b: {  	_ =	swait.ge [sflag:s10], $0x8000  }
0x5c: {  	[sflag:s10] =	ssyncset.done $0x0  }
0x5d: {  	[sflag:s10] =	ssyncadd.s32 $0xFFFF8000  }
0x5e: {  	[hbm4b:s16+s2] =	stream.linear.scatter [tilespmem:s7], [sflag:$0x3], $0x8000, $0x38;
	[tilespmem:$0x10800] =	vst v63  }
0x5f: {  	_ =	swait.ge [sflag:s3], $0x8000  }
0x60: {  	[sflag:s3] =	ssyncset.done $0x0  }
0x61: {  	[sflag:s3] =	ssyncadd.s32 $0xFFFF8000  }
0x62: {  	_ =	swait.ge [sflag:s13], $0x8000  }
.Ltmp1:
0x63: {  	[sflag:s13] =	ssyncset.done $0x0;
	(pc) =	sbr.rel @p0 .LBB2_1-.Ltmp1, $4  }
0x64: {  	[sflag:s13] =	ssyncadd.s32 $0xFFFF8000  }
0x65: {  	[hbm4b:s17+s2] =	stream.linear.scatter [tilespmem:s9], [sflag:$0x3], $0x8000, $0x38;
	[tilespmem:$0x10800] =	vst v63  }
0x66: {  	_ =	swait.ge [sflag:s3], $0x8000  }
0x67: {  	[sflag:s3] =	ssyncset.done $0x0  }
.LBB2_2:
0x68: {  	[sflag:s3] =	ssyncadd.s32 $0xFFFF8000  }
0x69: {  	_ =	sfence.sel $0x180000  }
0x6a: {  	[bflag:$0x0] =	sbarrier.arrive $0xFFFF  }
0x6b: {  	p0 =	sne.s32 s0, $0x0;
	_ =	strace $0x90000047  }
0x6c: {  	s0 =	sadd.s32 @!p0 $0x100000, s1;
	[bflag:$0x2] =	sbarrier.arrive $0xFFFF  }
0x6d: {  	[sflag:s0] =	ssyncadd.tile.s32 @!p0 $0x1;
	_ =	shalt  }
.Lfunc_end2:
_tile_overlayer_lowered:
.L_overlay_start_2:
0x6e: {  	(tag) =	ssettag $0x2  }
0x6f: {  	s0 =	rddreg [dreg:$0x0];
	s2 =	stileid.u32  }
0x70: {  	s1 =	rddreg [dreg:$0x1];
	p0 =	sne.s32 s2, $0x0  }
0x71: {  	s3 =	rddreg [dreg:$0x2];
	[bflag:$0x3] =	sbarrier.arrive $0xFFFF;
	s2 =	simm.s32 @!p0 $0x1C03  }
0x72: {  	[timem:s3], [sflag:s2] =	dma.local @!p0 [hbm:s0], s1  }
0x73: {  	s0 =	simm.s32 @!p0 $0x3  }
0x74: {  	_ =	swait.ge @!p0 [sflag:s0], s1  }
0x75: {  	s1 =	ssub.s32 @!p0 $0x0, s1;
	[sflag:s0] =	ssyncset.done @!p0 $0x0  }
0x76: {  	[sflag:s0] =	ssyncadd.s32 @!p0 s1  }
0x77: {  	[bflag:$0x3] =	sbarrier.arrive $0xFFFF  }
0x78: {  	_ =	shalt  }

</sc_bundles>
